<compile_context>
chip_gen: v7x
topology: tpu7x:2x2x1
jax: 0.10.2.dev20260603
libtpu: 0.0.44.dev20260713+nightly
codegen_flags: <defaults>
</compile_context>

<pallas_src>
import functools

import jax
import jax.numpy as jnp
from jax import lax
from jax.experimental import pallas as pl
from jax.experimental.pallas import tpu as pltpu
from jax.experimental.pallas import tpu_sc as plsc

B = 2
IMG_H = 64
IMG_W = 64
HW = IMG_H * IMG_W
N = HW
IMG_FEAT = 256
PT_FEAT = 128
K = 16
NH = 6
DH = 64
INNER = NH * DH
NHARM = 8
MAX_DIST = 0.1

TQ1 = 256
TQ2 = 256
BIG_D = 3.0e38
BIG_I = 1 << 30


def _topk_body(px_ref, py_ref, idx_ref):
    t = pl.program_id(0)
    tpb = HW // TQ1
    b = t // tpb
    px = px_ref[0]
    py = py_ref[0]
    r = lax.broadcasted_iota(jnp.int32, (TQ1, 1), 0) + (t % tpb) * TQ1
    qx = (r % IMG_W).astype(jnp.float32) / (IMG_W - 1)
    qy = (r // IMG_W).astype(jnp.float32) / (IMG_H - 1)
    pp = px * px + py * py
    qq = qx * qx + qy * qy
    quv = jnp.concatenate([qx, qy], axis=1)
    puv = jnp.concatenate([px, py], axis=0)
    s = jnp.dot(quv, puv, preferred_element_type=jnp.float32)
    d2 = qq + pp - 2.0 * s
    iota = lax.broadcasted_iota(jnp.int32, (TQ1, N), 1).astype(jnp.float32)
    cols = []
    for _ in range(K):
        m = jnp.min(d2, axis=1, keepdims=True)
        sel = d2 == m
        ik = jnp.min(jnp.where(sel, iota, BIG_D), axis=1, keepdims=True)
        cols.append(ik.astype(jnp.int32))
        d2 = jnp.where(iota == ik, BIG_D, d2)
    idx_ref[...] = jnp.concatenate(cols, axis=1) + b * N


def _topk_call(proj_x, proj_y):
    grid = (B * HW) // TQ1
    tpb = HW // TQ1
    return pl.pallas_call(
        _topk_body,
        grid=(grid,),
        in_specs=[
            pl.BlockSpec((1, 1, N), lambda t: (t // tpb, 0, 0)),
            pl.BlockSpec((1, 1, N), lambda t: (t // tpb, 0, 0)),
        ],
        out_specs=pl.BlockSpec((TQ1, K), lambda t: (t, 0)),
        out_shape=jax.ShapeDtypeStruct((B * HW, K), jnp.int32),
    )(proj_x, proj_y)


_ROWS = B * HW * K
_NW = 32
_RPW = _ROWS // _NW
_CHUNK = 512
_SUB = 128


def _gather_body(tbl_ref, idx_ref, out_ref, idx_v, rows_v, sem):
    wid = lax.axis_index("s") * 2 + lax.axis_index("c")
    base_row = wid * (_RPW // 128)

    def chunk(i, carry):
        pltpu.sync_copy(
            idx_ref.at[pl.ds(base_row + i * (_CHUNK // 128), _CHUNK // 128)],
            idx_v)
        handles = []
        for j in range(_CHUNK // _SUB):
            handles.append(pltpu.async_copy(
                tbl_ref.at[idx_v.at[j]],
                rows_v.at[pl.ds(j * _SUB, _SUB)], sem))
        for h in handles:
            h.wait()
        pltpu.sync_copy(
            rows_v,
            out_ref.at[pl.ds(wid * _RPW + i * _CHUNK, _CHUNK)])
        return carry

    lax.fori_loop(0, _RPW // _CHUNK, chunk, 0)


def _gather_call(feat3_flat, idx2d):
    mesh = plsc.VectorSubcoreMesh(core_axis_name="c", subcore_axis_name="s")
    k = pl.kernel(
        _gather_body,
        mesh=mesh,
        out_type=jax.ShapeDtypeStruct((_ROWS, PT_FEAT), jnp.float32),
        scratch_types=[
            pltpu.VMEM((_CHUNK // 128, 128), jnp.int32),
            pltpu.VMEM((_CHUNK, PT_FEAT), jnp.float32),
            pltpu.SemaphoreType.DMA,
        ],
    )
    return k(feat3_flat, idx2d)


def _head_mats():
    d = lax.broadcasted_iota(jnp.int32, (INNER, NH), 0) // DH
    h = lax.broadcasted_iota(jnp.int32, (INNER, NH), 1)
    ih = (d == h).astype(jnp.float32)
    dT = lax.broadcasted_iota(jnp.int32, (NH, INNER), 1) // DH
    hT = lax.broadcasted_iota(jnp.int32, (NH, INNER), 0)
    ihT = (dT == hT).astype(jnp.float32)
    return ih, ihT


def _epilogue_body(x2_ref, f3_ref, idx_ref, lnw_ref, lnb_ref, qng_ref,
                   kng_ref, wq_ref, wf3_ref, wpx_ref, wpy_ref, wout_ref,
                   out_ref):
    t = pl.program_id(0)
    tpb = HW // TQ2
    f32 = jnp.float32
    bf = jnp.bfloat16
    dot16 = lambda a, b: jnp.dot(a.astype(bf), b.astype(bf),
                                 preferred_element_type=f32)
    ih, ihT = _head_mats()

    x = x2_ref[...]
    mu = jnp.mean(x, axis=1, keepdims=True)
    xc = x - mu
    var = jnp.mean(xc * xc, axis=1, keepdims=True)
    xn = xc / jnp.sqrt(var + 1e-5) * lnw_ref[...] + lnb_ref[...]
    q = dot16(xn, wq_ref[...])
    qss = dot16(q * q, ih)
    qsc = jax.lax.rsqrt(qss + 1e-12) * (DH ** 0.5)
    qn = q * dot16(qsc, ihT) * qng_ref[...]

    R = TQ2 * K
    gi = idx_ref[...] % N
    r = lax.broadcasted_iota(jnp.int32, (R, 1), 0)
    ql = (t % tpb) * TQ2 + r // K
    nx = (gi % IMG_W).astype(f32) / (IMG_W - 1)
    ny = (gi // IMG_W).astype(f32) / (IMG_H - 1)
    qxv = (ql % IMG_W).astype(f32) / (IMG_W - 1)
    qyv = (ql // IMG_W).astype(f32) / (IMG_H - 1)
    ox = nx - qxv
    oy = ny - qyv
    mask = jnp.sqrt(ox * ox + oy * oy) <= MAX_DIST

    fr = (jnp.int32(1) << lax.broadcasted_iota(jnp.int32, (1, NHARM), 1)
          ).astype(f32)
    dv = ((lax.broadcasted_iota(jnp.int32, (128, 1), 0) - 63).astype(f32)
          / (IMG_W - 1))
    emb = dv * fr
    feats = jnp.concatenate([jnp.sin(emb), jnp.cos(emb), dv], axis=1)
    tx = jnp.dot(feats, wpx_ref[...], preferred_element_type=f32)
    ty = jnp.dot(feats, wpy_ref[...], preferred_element_type=f32)
    t2 = jnp.concatenate([tx, ty], axis=0)
    dxi = gi % IMG_W - ql % IMG_W + 63
    dyi = gi // IMG_W - ql // IMG_W + 63
    lane = lax.broadcasted_iota(jnp.int32, (R, 128), 1)
    ohx = (dxi == lane).astype(f32)
    ohy = (dyi == lane).astype(f32)
    oh = jnp.concatenate([ohx, ohy], axis=1)

    f3 = f3_ref[...]
    kv = dot16(f3, wf3_ref[...]) + dot16(oh, t2)
    k_ = kv[:, :INNER]
    v_ = kv[:, INNER:]
    kss = dot16(k_ * k_, ih)
    ksc = jax.lax.rsqrt(kss + 1e-12) * (DH ** 0.5)
    kn = k_ * dot16(ksc, ihT) * kng_ref[...]

    qrows = jnp.broadcast_to(qn[:, None, :], (TQ2, K, INNER)).reshape(R, INNER)
    logits = dot16(qrows * kn, ih)
    logits = jnp.where(mask, logits, f32(-1e9)).reshape(TQ2, K, NH)
    mx = jnp.max(logits, axis=1, keepdims=True)
    e = jnp.exp(logits - mx)
    ssum = jnp.sum(e, axis=1, keepdims=True)
    w = (e / ssum).reshape(R, NH)
    wfull = dot16(w, ihT)
    ov = (wfull * v_).reshape(TQ2, K, INNER)
    outq = jnp.sum(ov, axis=1)
    out_ref[...] = dot16(outq, wout_ref[...])


def _epilogue_call(feat2_flat, f3rows, idx_col, ln_w2, ln_b2, qng2, kng2,
                   Wq, Wf3, Wpx, Wpy, Wout):
    grid = (B * HW) // TQ2
    zero2 = lambda t: (0, 0)
    return pl.pallas_call(
        _epilogue_body,
        grid=(grid,),
        in_specs=[
            pl.BlockSpec((TQ2, IMG_FEAT), lambda t: (t, 0)),
            pl.BlockSpec((TQ2 * K, PT_FEAT), lambda t: (t, 0)),
            pl.BlockSpec((TQ2 * K, 1), lambda t: (t, 0)),
            pl.BlockSpec((1, IMG_FEAT), zero2),
            pl.BlockSpec((1, IMG_FEAT), zero2),
            pl.BlockSpec((1, INNER), zero2),
            pl.BlockSpec((1, INNER), zero2),
            pl.BlockSpec((IMG_FEAT, INNER), zero2),
            pl.BlockSpec((PT_FEAT, 2 * INNER), zero2),
            pl.BlockSpec((17, 2 * INNER), zero2),
            pl.BlockSpec((17, 2 * INNER), zero2),
            pl.BlockSpec((INNER, INNER), zero2),
        ],
        out_specs=pl.BlockSpec((TQ2, INNER), lambda t: (t, 0)),
        out_shape=jax.ShapeDtypeStruct((B * HW, INNER), jnp.float32),
    )(feat2_flat, f3rows, idx_col, ln_w2, ln_b2, qng2, kng2,
      Wq, Wf3, Wpx, Wpy, Wout)


def kernel(feat_2d, feat_3d, proj_uv, ln_w, ln_b, qn_g, kn_g, Wq, Wkv, Wout):
    proj_x = proj_uv[:, :, 0].reshape(B, 1, N)
    proj_y = proj_uv[:, :, 1].reshape(B, 1, N)
    idx_g = _topk_call(proj_x, proj_y)

    feat3_flat = feat_3d.reshape(B * N, PT_FEAT)
    idx2d = idx_g.reshape(_ROWS // 128, 128)
    f3rows = _gather_call(feat3_flat, idx2d)

    feat2_flat = feat_2d.reshape(B * HW, IMG_FEAT)
    idx_col = idx_g.reshape(_ROWS, 1)
    Wpos = Wkv[PT_FEAT:]
    Wpx = jnp.concatenate([Wpos[0:8], Wpos[16:24], Wpos[32:33]], axis=0)
    Wpy = jnp.concatenate([Wpos[8:16], Wpos[24:32], Wpos[33:34]], axis=0)
    out = _epilogue_call(
        feat2_flat, f3rows, idx_col,
        ln_w.reshape(1, IMG_FEAT), ln_b.reshape(1, IMG_FEAT),
        qn_g.reshape(1, INNER), kn_g.reshape(1, INNER),
        Wq, Wkv[:PT_FEAT], Wpx, Wpy, Wout)
    return out.reshape(B, HW, INNER)

# --- scband reference (transcript-rebuilt; emitter-appended) ---
"""Pipeline reference for scband-fusion-aware-gat-70119636075170 (READ-ONLY COPY).

The authoritative reference and input builder live on the scoring server;
editing this copy changes nothing except your own understanding.
"""

import jax, jax.numpy as jnp
import numpy as np

B = 2
IMG_H = 64
IMG_W = 64
HW = IMG_H * IMG_W
N = HW
IMG_FEAT = 256
PT_FEAT = 128
K = 16
NH = 6
DH = 64
INNER = NH * DH
NHARM = 8
POS_DIM = 2 * 2 * NHARM + 2
MAX_DIST = 0.1


def _img_uv():
    yy, xx = jnp.meshgrid(jnp.arange(IMG_H, dtype=jnp.float32), jnp.arange(IMG_W, dtype=jnp.float32), indexing='ij')
    x = xx / (IMG_W - 1)
    y = yy / (IMG_H - 1)
    return jnp.stack([x.reshape(-1), y.reshape(-1)], axis=-1)


def _harmonic(x):
    freqs = 2.0 ** jnp.arange(NHARM, dtype=jnp.float32)
    emb = (x[..., None] * freqs).reshape(x.shape[:-1] + (-1,))
    return jnp.concatenate([jnp.sin(emb), jnp.cos(emb), x], axis=-1)


def _rmsnorm(x, g):
    xn = x / jnp.sqrt(jnp.sum(x * x, axis=-1, keepdims=True) + 1e-12)
    return xn * (DH ** 0.5) * g


def _forward(feat_2d, feat_3d, proj_uv, ln_w, ln_b, qn_g, kn_g, Wq, Wkv, Wout):
    img_uv = jnp.broadcast_to(_img_uv()[None], (B, HW, 2))
    qq = jnp.sum(img_uv * img_uv, axis=-1)[:, :, None]
    pp = jnp.sum(proj_uv * proj_uv, axis=-1)[:, None, :]
    d2 = qq + pp - 2.0 * jnp.einsum('bqc,bnc->bqn', img_uv, proj_uv)
    _, idx = jax.lax.top_k(-d2, K)
    idx_flat = idx.reshape(B, HW * K)
    knn_uv = jnp.take_along_axis(img_uv, idx_flat[:, :, None], axis=1).reshape(B, HW, K, 2)
    knn_f3 = jnp.take_along_axis(feat_3d, idx_flat[:, :, None], axis=1).reshape(B, HW, K, PT_FEAT)
    knn_off = knn_uv - img_uv[:, :, None, :]
    mask = (jnp.linalg.norm(knn_off, axis=-1) <= MAX_DIST).reshape(B * HW, 1, 1, K)
    pos = _harmonic(knn_off)
    mu = jnp.mean(feat_2d, axis=-1, keepdims=True)
    var = jnp.var(feat_2d, axis=-1, keepdims=True)
    x = (feat_2d - mu) / jnp.sqrt(var + 1e-5) * ln_w + ln_b
    q = (x @ Wq).reshape(B * HW, 1, NH, DH).transpose(0, 2, 1, 3)
    kv_in = jnp.concatenate([knn_f3, pos], axis=-1).reshape(B * HW, K, PT_FEAT + POS_DIM)
    kv = kv_in @ Wkv
    k_, v_ = jnp.split(kv, 2, axis=-1)
    k_ = k_.reshape(B * HW, K, NH, DH).transpose(0, 2, 1, 3)
    v_ = v_.reshape(B * HW, K, NH, DH).transpose(0, 2, 1, 3)
    q = _rmsnorm(q, qn_g)
    k_ = _rmsnorm(k_, kn_g)
    logits = jnp.einsum('bhqd,bhkd->bhqk', q, k_)
    logits = jnp.where(mask, logits, -1e9)
    attn = jax.nn.softmax(logits, axis=-1)
    out = jnp.einsum('bhqk,bhkd->bhqd', attn, v_)
    out = out.transpose(0, 2, 1, 3).reshape(B * HW, INNER)
    out = out @ Wout
    return out.reshape(B, HW, INNER)


def setup_inputs(seed: int = 0):
    key = jax.random.key(seed)
    ks = jax.random.split(key, 7)
    feat_2d = jax.random.normal(ks[0], (B, HW, IMG_FEAT), dtype=jnp.float32)
    feat_3d = jax.random.normal(ks[1], (B, N, PT_FEAT), dtype=jnp.float32)
    proj_uv = jax.random.uniform(ks[2], (B, N, 2), dtype=jnp.float32)
    ln_w = jnp.ones((IMG_FEAT,), jnp.float32)
    ln_b = jnp.zeros((IMG_FEAT,), jnp.float32)
    qn_g = jnp.ones((NH, 1, DH), jnp.float32)
    kn_g = jnp.ones((NH, 1, DH), jnp.float32)
    Wq = jax.random.normal(ks[3], (IMG_FEAT, INNER), jnp.float32) * (IMG_FEAT ** -0.5)
    Wkv = jax.random.normal(ks[4], (PT_FEAT + POS_DIM, 2 * INNER), jnp.float32) * ((PT_FEAT + POS_DIM) ** -0.5)
    Wout = jax.random.normal(ks[5], (INNER, INNER), jnp.float32) * (INNER ** -0.5)
    return {"feat_2d": feat_2d, "feat_3d": feat_3d, "proj_uv": proj_uv, "ln_w": ln_w, "ln_b": ln_b, "qn_g": qn_g, "kn_g": kn_g, "Wq": Wq, "Wkv": Wkv, "Wout": Wout}


def reference(feat_2d, feat_3d, proj_uv, ln_w, ln_b, qn_g, kn_g, Wq, Wkv, Wout):
    # output_type fixed to '1d'
    return _forward(feat_2d, feat_3d, proj_uv, ln_w, ln_b, qn_g, kn_g, Wq, Wkv, Wout)

if __name__ == "__main__":
    import jax
    _d = setup_inputs()
    print(jax.jit(kernel)(*tuple(_d.values())))

</pallas_src>

<mosaic_0001>
#map = affine_map<(d0, d1) -> (0, 0)>
module attributes {stable_mosaic.version = 14 : i64} {
  func.func @_gather_body(%arg0: i32, %arg1: i32, %arg2: memref<8192x128xf32, #tpu.memory_space<hbm>>, %arg3: memref<1024x128xi32, #tpu.memory_space<hbm>>, %arg4: memref<131072x128xf32, #tpu.memory_space<hbm>>, %arg5: memref<4x128xi32, #tpu.memory_space<vmem>>, %arg6: memref<512x128xf32, #tpu.memory_space<vmem>>, %arg7: memref<!tpu.dma_semaphore, #tpu.memory_space<semaphore_mem>>) attributes {dimension_semantics = [#tpu.dimension_semantics<core_parallel>, #tpu.dimension_semantics<subcore_parallel>], iteration_bounds = array<i64: 2, 16>, scalar_prefetch = 0 : i64, scratch_operands = 3 : i64, tpu.core_type = #tpu.core_type<sc_vector_subcore>, window_params = [{transform_indices = #map}, {transform_indices = #map}, {transform_indices = #map}]} {
    %mul3A = arith.constant 2 : i32
    %mul3A_0 = arith.muli %arg1, %mul3A : i32
    %add3A = arith.addi %mul3A_0, %arg0 : i32
    %mul3A_1 = arith.constant 32 : i32
    %mul3A_2 = arith.muli %add3A, %mul3A_1 : i32
    %scan3A = arith.constant 0 : i32
    %scan3A_3 = arith.constant 0 : i32
    %scan3A_4 = arith.constant 8 : i32
    %scan3A_5 = arith.addi %scan3A_3, %scan3A_4 : i32
    %scan3A_6 = arith.constant 1 : i32
    scf.for %scan3A_8 = %scan3A_3 to %scan3A_5 step %scan3A_6  : i32 {
      %mul3A_9 = arith.constant 4 : i32
      %mul3A_10 = arith.muli %scan3A_8, %mul3A_9 : i32
      %add3A_11 = arith.addi %mul3A_2, %mul3A_10 : i32
      "tpu.region"() ({
        %run_scoped3A = tpu.sem_alloc : memref<!tpu.dma_semaphore, #tpu.memory_space<semaphore_mem>>
        %dma_start3A_95 = arith.constant 0 : i32
        %dma_start3A_96 = tpu.memref_slice %arg3[%add3A_11, %dma_start3A_95] : memref<1024x128xi32, #tpu.memory_space<hbm>> -> memref<4x128xi32, #tpu.memory_space<hbm>>
        %dma_start3A_97 = arith.constant 0 : i32
        %dma_start3A_98 = tpu.memref_slice %arg3[%add3A_11, %dma_start3A_97] : memref<1024x128xi32, #tpu.memory_space<hbm>> -> memref<4x128xi32, #tpu.memory_space<hbm>>
        tpu.enqueue_dma source(%dma_start3A_98 : memref<4x128xi32, #tpu.memory_space<hbm>>) target(%arg5 : memref<4x128xi32, #tpu.memory_space<vmem>>) target_semaphore(%run_scoped3A : memref<!tpu.dma_semaphore, #tpu.memory_space<semaphore_mem>>)
        %dma_wait3A_99 = arith.constant 0 : i32
        %dma_wait3A_100 = tpu.memref_slice %arg3[%add3A_11, %dma_wait3A_99] : memref<1024x128xi32, #tpu.memory_space<hbm>> -> memref<4x128xi32, #tpu.memory_space<hbm>>
        %dma_wait3A_101 = arith.constant 0 : i32
        %dma_wait3A_102 = tpu.memref_slice %arg3[%add3A_11, %dma_wait3A_101] : memref<1024x128xi32, #tpu.memory_space<hbm>> -> memref<4x128xi32, #tpu.memory_space<hbm>>
        tpu.wait_dma2 semaphore(%run_scoped3A : memref<!tpu.dma_semaphore, #tpu.memory_space<semaphore_mem>>) src(%dma_wait3A_102 : memref<4x128xi32, #tpu.memory_space<hbm>>) dst(%arg5 : memref<4x128xi32, #tpu.memory_space<vmem>>)
        tpu.yield
      }) : () -> ()
      %dma_start3A = arith.constant 0 : i32
      %dma_start3A_12 = arith.constant 0 : i32
      %dma_start3A_13 = arith.constant 0 : i32
      %dma_start3A_14 = tpu.memref_slice %arg6[%dma_start3A_12, %dma_start3A_13] : memref<512x128xf32, #tpu.memory_space<vmem>> -> memref<128x128xf32, #tpu.memory_space<vmem>>
      %dma_start3A_15 = arith.constant 0 : i32
      %dma_start3A_16 = tpu.memref_slice %arg5[%dma_start3A, %dma_start3A_15] : memref<4x128xi32, #tpu.memory_space<vmem>> -> memref<1x128xi32, #tpu.memory_space<vmem>>
      %dma_start3A_17 = tpu.memref_squeeze %dma_start3A_16 : memref<1x128xi32, #tpu.memory_space<vmem>> -> memref<128xi32, #tpu.memory_space<vmem>>
      %dma_start3A_18 = arith.constant 0 : i32
      %dma_start3A_19 = arith.constant 0 : i32
      %dma_start3A_20 = tpu.memref_slice %arg2[%dma_start3A_18, %dma_start3A_19] : memref<8192x128xf32, #tpu.memory_space<hbm>> -> memref<8192x128xf32, #tpu.memory_space<hbm>>
      tpu.enqueue_indirect_dma source(%dma_start3A_20 : memref<8192x128xf32, #tpu.memory_space<hbm>>) target(%dma_start3A_14 : memref<128x128xf32, #tpu.memory_space<vmem>>) offsets(%dma_start3A_17 : memref<128xi32, #tpu.memory_space<vmem>>) semaphore(%arg7 : memref<!tpu.dma_semaphore, #tpu.memory_space<semaphore_mem>>)
      %dma_start3A_21 = arith.constant 1 : i32
      %dma_start3A_22 = arith.constant 128 : i32
      %dma_start3A_23 = arith.constant 0 : i32
      %dma_start3A_24 = tpu.memref_slice %arg6[%dma_start3A_22, %dma_start3A_23] : memref<512x128xf32, #tpu.memory_space<vmem>> -> memref<128x128xf32, #tpu.memory_space<vmem>>
      %dma_start3A_25 = arith.constant 0 : i32
      %dma_start3A_26 = tpu.memref_slice %arg5[%dma_start3A_21, %dma_start3A_25] : memref<4x128xi32, #tpu.memory_space<vmem>> -> memref<1x128xi32, #tpu.memory_space<vmem>>
      %dma_start3A_27 = tpu.memref_squeeze %dma_start3A_26 : memref<1x128xi32, #tpu.memory_space<vmem>> -> memref<128xi32, #tpu.memory_space<vmem>>
      %dma_start3A_28 = arith.constant 0 : i32
      %dma_start3A_29 = arith.constant 0 : i32
      %dma_start3A_30 = tpu.memref_slice %arg2[%dma_start3A_28, %dma_start3A_29] : memref<8192x128xf32, #tpu.memory_space<hbm>> -> memref<8192x128xf32, #tpu.memory_space<hbm>>
      tpu.enqueue_indirect_dma source(%dma_start3A_30 : memref<8192x128xf32, #tpu.memory_space<hbm>>) target(%dma_start3A_24 : memref<128x128xf32, #tpu.memory_space<vmem>>) offsets(%dma_start3A_27 : memref<128xi32, #tpu.memory_space<vmem>>) semaphore(%arg7 : memref<!tpu.dma_semaphore, #tpu.memory_space<semaphore_mem>>)
      %dma_start3A_31 = arith.constant 2 : i32
      %dma_start3A_32 = arith.constant 256 : i32
      %dma_start3A_33 = arith.constant 0 : i32
      %dma_start3A_34 = tpu.memref_slice %arg6[%dma_start3A_32, %dma_start3A_33] : memref<512x128xf32, #tpu.memory_space<vmem>> -> memref<128x128xf32, #tpu.memory_space<vmem>>
      %dma_start3A_35 = arith.constant 0 : i32
      %dma_start3A_36 = tpu.memref_slice %arg5[%dma_start3A_31, %dma_start3A_35] : memref<4x128xi32, #tpu.memory_space<vmem>> -> memref<1x128xi32, #tpu.memory_space<vmem>>
      %dma_start3A_37 = tpu.memref_squeeze %dma_start3A_36 : memref<1x128xi32, #tpu.memory_space<vmem>> -> memref<128xi32, #tpu.memory_space<vmem>>
      %dma_start3A_38 = arith.constant 0 : i32
      %dma_start3A_39 = arith.constant 0 : i32
      %dma_start3A_40 = tpu.memref_slice %arg2[%dma_start3A_38, %dma_start3A_39] : memref<8192x128xf32, #tpu.memory_space<hbm>> -> memref<8192x128xf32, #tpu.memory_space<hbm>>
      tpu.enqueue_indirect_dma source(%dma_start3A_40 : memref<8192x128xf32, #tpu.memory_space<hbm>>) target(%dma_start3A_34 : memref<128x128xf32, #tpu.memory_space<vmem>>) offsets(%dma_start3A_37 : memref<128xi32, #tpu.memory_space<vmem>>) semaphore(%arg7 : memref<!tpu.dma_semaphore, #tpu.memory_space<semaphore_mem>>)
      %dma_start3A_41 = arith.constant 3 : i32
      %dma_start3A_42 = arith.constant 384 : i32
      %dma_start3A_43 = arith.constant 0 : i32
      %dma_start3A_44 = tpu.memref_slice %arg6[%dma_start3A_42, %dma_start3A_43] : memref<512x128xf32, #tpu.memory_space<vmem>> -> memref<128x128xf32, #tpu.memory_space<vmem>>
      %dma_start3A_45 = arith.constant 0 : i32
      %dma_start3A_46 = tpu.memref_slice %arg5[%dma_start3A_41, %dma_start3A_45] : memref<4x128xi32, #tpu.memory_space<vmem>> -> memref<1x128xi32, #tpu.memory_space<vmem>>
      %dma_start3A_47 = tpu.memref_squeeze %dma_start3A_46 : memref<1x128xi32, #tpu.memory_space<vmem>> -> memref<128xi32, #tpu.memory_space<vmem>>
      %dma_start3A_48 = arith.constant 0 : i32
      %dma_start3A_49 = arith.constant 0 : i32
      %dma_start3A_50 = tpu.memref_slice %arg2[%dma_start3A_48, %dma_start3A_49] : memref<8192x128xf32, #tpu.memory_space<hbm>> -> memref<8192x128xf32, #tpu.memory_space<hbm>>
      tpu.enqueue_indirect_dma source(%dma_start3A_50 : memref<8192x128xf32, #tpu.memory_space<hbm>>) target(%dma_start3A_44 : memref<128x128xf32, #tpu.memory_space<vmem>>) offsets(%dma_start3A_47 : memref<128xi32, #tpu.memory_space<vmem>>) semaphore(%arg7 : memref<!tpu.dma_semaphore, #tpu.memory_space<semaphore_mem>>)
      %dma_wait3A = arith.constant 0 : i32
      %dma_wait3A_51 = arith.constant 0 : i32
      %dma_wait3A_52 = arith.constant 0 : i32
      %dma_wait3A_53 = tpu.memref_slice %arg6[%dma_wait3A_51, %dma_wait3A_52] : memref<512x128xf32, #tpu.memory_space<vmem>> -> memref<128x128xf32, #tpu.memory_space<vmem>>
      %dma_wait3A_54 = arith.constant 0 : i32
      %dma_wait3A_55 = tpu.memref_slice %arg5[%dma_wait3A, %dma_wait3A_54] : memref<4x128xi32, #tpu.memory_space<vmem>> -> memref<1x128xi32, #tpu.memory_space<vmem>>
      %dma_wait3A_56 = tpu.memref_squeeze %dma_wait3A_55 : memref<1x128xi32, #tpu.memory_space<vmem>> -> memref<128xi32, #tpu.memory_space<vmem>>
      %dma_wait3A_57 = arith.constant 0 : i32
      %dma_wait3A_58 = arith.constant 0 : i32
      %dma_wait3A_59 = tpu.memref_slice %arg2[%dma_wait3A_57, %dma_wait3A_58] : memref<8192x128xf32, #tpu.memory_space<hbm>> -> memref<8192x128xf32, #tpu.memory_space<hbm>>
      tpu.wait_indirect_dma semaphore(%arg7 : memref<!tpu.dma_semaphore, #tpu.memory_space<semaphore_mem>>) src(%dma_wait3A_59 : memref<8192x128xf32, #tpu.memory_space<hbm>>) dst(%dma_wait3A_53 : memref<128x128xf32, #tpu.memory_space<vmem>>)
      %dma_wait3A_60 = arith.constant 1 : i32
      %dma_wait3A_61 = arith.constant 128 : i32
      %dma_wait3A_62 = arith.constant 0 : i32
      %dma_wait3A_63 = tpu.memref_slice %arg6[%dma_wait3A_61, %dma_wait3A_62] : memref<512x128xf32, #tpu.memory_space<vmem>> -> memref<128x128xf32, #tpu.memory_space<vmem>>
      %dma_wait3A_64 = arith.constant 0 : i32
      %dma_wait3A_65 = tpu.memref_slice %arg5[%dma_wait3A_60, %dma_wait3A_64] : memref<4x128xi32, #tpu.memory_space<vmem>> -> memref<1x128xi32, #tpu.memory_space<vmem>>
      %dma_wait3A_66 = tpu.memref_squeeze %dma_wait3A_65 : memref<1x128xi32, #tpu.memory_space<vmem>> -> memref<128xi32, #tpu.memory_space<vmem>>
      %dma_wait3A_67 = arith.constant 0 : i32
      %dma_wait3A_68 = arith.constant 0 : i32
      %dma_wait3A_69 = tpu.memref_slice %arg2[%dma_wait3A_67, %dma_wait3A_68] : memref<8192x128xf32, #tpu.memory_space<hbm>> -> memref<8192x128xf32, #tpu.memory_space<hbm>>
      tpu.wait_indirect_dma semaphore(%arg7 : memref<!tpu.dma_semaphore, #tpu.memory_space<semaphore_mem>>) src(%dma_wait3A_69 : memref<8192x128xf32, #tpu.memory_space<hbm>>) dst(%dma_wait3A_63 : memref<128x128xf32, #tpu.memory_space<vmem>>)
      %dma_wait3A_70 = arith.constant 2 : i32
      %dma_wait3A_71 = arith.constant 256 : i32
      %dma_wait3A_72 = arith.constant 0 : i32
      %dma_wait3A_73 = tpu.memref_slice %arg6[%dma_wait3A_71, %dma_wait3A_72] : memref<512x128xf32, #tpu.memory_space<vmem>> -> memref<128x128xf32, #tpu.memory_space<vmem>>
      %dma_wait3A_74 = arith.constant 0 : i32
      %dma_wait3A_75 = tpu.memref_slice %arg5[%dma_wait3A_70, %dma_wait3A_74] : memref<4x128xi32, #tpu.memory_space<vmem>> -> memref<1x128xi32, #tpu.memory_space<vmem>>
      %dma_wait3A_76 = tpu.memref_squeeze %dma_wait3A_75 : memref<1x128xi32, #tpu.memory_space<vmem>> -> memref<128xi32, #tpu.memory_space<vmem>>
      %dma_wait3A_77 = arith.constant 0 : i32
      %dma_wait3A_78 = arith.constant 0 : i32
      %dma_wait3A_79 = tpu.memref_slice %arg2[%dma_wait3A_77, %dma_wait3A_78] : memref<8192x128xf32, #tpu.memory_space<hbm>> -> memref<8192x128xf32, #tpu.memory_space<hbm>>
      tpu.wait_indirect_dma semaphore(%arg7 : memref<!tpu.dma_semaphore, #tpu.memory_space<semaphore_mem>>) src(%dma_wait3A_79 : memref<8192x128xf32, #tpu.memory_space<hbm>>) dst(%dma_wait3A_73 : memref<128x128xf32, #tpu.memory_space<vmem>>)
      %dma_wait3A_80 = arith.constant 3 : i32
      %dma_wait3A_81 = arith.constant 384 : i32
      %dma_wait3A_82 = arith.constant 0 : i32
      %dma_wait3A_83 = tpu.memref_slice %arg6[%dma_wait3A_81, %dma_wait3A_82] : memref<512x128xf32, #tpu.memory_space<vmem>> -> memref<128x128xf32, #tpu.memory_space<vmem>>
      %dma_wait3A_84 = arith.constant 0 : i32
      %dma_wait3A_85 = tpu.memref_slice %arg5[%dma_wait3A_80, %dma_wait3A_84] : memref<4x128xi32, #tpu.memory_space<vmem>> -> memref<1x128xi32, #tpu.memory_space<vmem>>
      %dma_wait3A_86 = tpu.memref_squeeze %dma_wait3A_85 : memref<1x128xi32, #tpu.memory_space<vmem>> -> memref<128xi32, #tpu.memory_space<vmem>>
      %dma_wait3A_87 = arith.constant 0 : i32
      %dma_wait3A_88 = arith.constant 0 : i32
      %dma_wait3A_89 = tpu.memref_slice %arg2[%dma_wait3A_87, %dma_wait3A_88] : memref<8192x128xf32, #tpu.memory_space<hbm>> -> memref<8192x128xf32, #tpu.memory_space<hbm>>
      tpu.wait_indirect_dma semaphore(%arg7 : memref<!tpu.dma_semaphore, #tpu.memory_space<semaphore_mem>>) src(%dma_wait3A_89 : memref<8192x128xf32, #tpu.memory_space<hbm>>) dst(%dma_wait3A_83 : memref<128x128xf32, #tpu.memory_space<vmem>>)
      %mul3A_90 = arith.constant 4096 : i32
      %mul3A_91 = arith.muli %add3A, %mul3A_90 : i32
      %mul3A_92 = arith.constant 512 : i32
      %mul3A_93 = arith.muli %scan3A_8, %mul3A_92 : i32
      %add3A_94 = arith.addi %mul3A_91, %mul3A_93 : i32
      "tpu.region"() ({
        %run_scoped3A = tpu.sem_alloc : memref<!tpu.dma_semaphore, #tpu.memory_space<semaphore_mem>>
        %dma_start3A_95 = arith.constant 0 : i32
        %dma_start3A_96 = tpu.memref_slice %arg4[%add3A_94, %dma_start3A_95] : memref<131072x128xf32, #tpu.memory_space<hbm>> -> memref<512x128xf32, #tpu.memory_space<hbm>>
        %dma_start3A_97 = arith.constant 0 : i32
        %dma_start3A_98 = tpu.memref_slice %arg4[%add3A_94, %dma_start3A_97] : memref<131072x128xf32, #tpu.memory_space<hbm>> -> memref<512x128xf32, #tpu.memory_space<hbm>>
        tpu.enqueue_dma source(%arg6 : memref<512x128xf32, #tpu.memory_space<vmem>>) target(%dma_start3A_98 : memref<512x128xf32, #tpu.memory_space<hbm>>) target_semaphore(%run_scoped3A : memref<!tpu.dma_semaphore, #tpu.memory_space<semaphore_mem>>)
        %dma_wait3A_99 = arith.constant 0 : i32
        %dma_wait3A_100 = tpu.memref_slice %arg4[%add3A_94, %dma_wait3A_99] : memref<131072x128xf32, #tpu.memory_space<hbm>> -> memref<512x128xf32, #tpu.memory_space<hbm>>
        %dma_wait3A_101 = arith.constant 0 : i32
        %dma_wait3A_102 = tpu.memref_slice %arg4[%add3A_94, %dma_wait3A_101] : memref<131072x128xf32, #tpu.memory_space<hbm>> -> memref<512x128xf32, #tpu.memory_space<hbm>>
        tpu.wait_dma2 semaphore(%run_scoped3A : memref<!tpu.dma_semaphore, #tpu.memory_space<semaphore_mem>>) src(%arg6 : memref<512x128xf32, #tpu.memory_space<vmem>>) dst(%dma_wait3A_102 : memref<512x128xf32, #tpu.memory_space<hbm>>)
        tpu.yield
      }) : () -> ()
    }
    %scan3A_7 = arith.constant 8 : i32
    return
  }
}

module attributes {stable_mosaic.version = 14 : i64} {
  func.func @_topk_body(%arg0: i32, %arg1: memref<1x1x4096xf32, #tpu.memory_space<vmem>>, %arg2: memref<1x1x4096xf32, #tpu.memory_space<vmem>>, %arg3: memref<256x16xi32, #tpu.memory_space<vmem>>) attributes {dimension_semantics = [#tpu.dimension_semantics<arbitrary>], iteration_bounds = array<i64: 32>, scalar_prefetch = 0 : i64, scratch_operands = 0 : i64, tpu.core_type = #tpu.core_type<tc>, window_params = [{transform_indices = @transform_0, window_bounds = array<i64: 1, 1, 4096>}, {transform_indices = @transform_1, window_bounds = array<i64: 1, 1, 4096>}, {transform_indices = @transform_2, window_bounds = array<i64: 256, 16>}]} {
    %jit3A = arith.constant 16 : i32
    %div3A = arith.divsi %arg0, %jit3A : i32
    %sign3A = arith.constant 0 : i32
    %sign3A_0 = arith.cmpi sgt, %arg0, %sign3A : i32
    %sign3A_1 = arith.extui %sign3A_0 : i1 to i32
    %sign3A_2 = arith.constant 0 : i32
    %sign3A_3 = arith.cmpi slt, %arg0, %sign3A_2 : i32
    %sign3A_4 = arith.extui %sign3A_3 : i1 to i32
    %sign3A_5 = arith.subi %sign3A_1, %sign3A_4 : i32
    %sign3A_6 = arith.constant 0 : i32
    %sign3A_7 = arith.cmpi sgt, %jit3A, %sign3A_6 : i32
    %sign3A_8 = arith.extui %sign3A_7 : i1 to i32
    %sign3A_9 = arith.constant 0 : i32
    %sign3A_10 = arith.cmpi slt, %jit3A, %sign3A_9 : i32
    %sign3A_11 = arith.extui %sign3A_10 : i1 to i32
    %sign3A_12 = arith.subi %sign3A_8, %sign3A_11 : i32
    %ne3A = arith.cmpi ne, %sign3A_5, %sign3A_12 : i32
    %rem3A = arith.remsi %arg0, %jit3A : i32
    %ne3A_13 = arith.constant 0 : i32
    %ne3A_14 = arith.cmpi ne, %rem3A, %ne3A_13 : i32
    %and3A = arith.andi %ne3A, %ne3A_14 : i1
    %sub3A = arith.constant 1 : i32
    %sub3A_15 = arith.subi %div3A, %sub3A : i32
    %select_n3A = arith.select %and3A, %sub3A_15, %div3A : i32
    %get3A = arith.constant 0 : index
    %get3A_16 = arith.constant 0 : index
    %get3A_17 = arith.constant 0 : index
    %get3A_18 = vector.load %arg1[%get3A, %get3A_16, %get3A_17] : memref<1x1x4096xf32, #tpu.memory_space<vmem>>, vector<1x1x4096xf32>
    %get3A_19 = vector.shape_cast %get3A_18 : vector<1x1x4096xf32> to vector<1x4096xf32>
    %get3A_20 = arith.constant 0 : index
    %get3A_21 = arith.constant 0 : index
    %get3A_22 = arith.constant 0 : index
    %get3A_23 = vector.load %arg2[%get3A_20, %get3A_21, %get3A_22] : memref<1x1x4096xf32, #tpu.memory_space<vmem>>, vector<1x1x4096xf32>
    %get3A_24 = vector.shape_cast %get3A_23 : vector<1x1x4096xf32> to vector<1x4096xf32>
    %iota3A = tpu.iota {dimensions = array<i32: 0>} : vector<256x1xi32>
    %jit3A_25 = arith.constant 16 : i32
    %eq3A = arith.constant 0 : i32
    %eq3A_26 = arith.cmpi eq, %jit3A_25, %eq3A : i32
    %jit3A_27 = arith.constant 1 : i32
    %select_n3A_28 = arith.select %eq3A_26, %jit3A_27, %jit3A_25 : i32
    %rem3A_29 = arith.remsi %arg0, %select_n3A_28 : i32
    %ne3A_30 = arith.constant 0 : i32
    %ne3A_31 = arith.cmpi ne, %rem3A_29, %ne3A_30 : i32
    %lt3A = arith.constant 0 : i32
    %lt3A_32 = arith.cmpi slt, %rem3A_29, %lt3A : i32
    %lt3A_33 = arith.constant 0 : i32
    %lt3A_34 = arith.cmpi slt, %select_n3A_28, %lt3A_33 : i32
    %ne3A_35 = arith.xori %lt3A_32, %lt3A_34 : i1
    %and3A_36 = arith.andi %ne3A_35, %ne3A_31 : i1
    %add3A = arith.addi %rem3A_29, %select_n3A_28 : i32
    %select_n3A_37 = arith.select %and3A_36, %add3A, %rem3A_29 : i32
    %mul3A = arith.constant 256 : i32
    %mul3A_38 = arith.muli %select_n3A_37, %mul3A : i32
    %add3A_39 = vector.broadcast %mul3A_38 : i32 to vector<256x1xi32>
    %add3A_40 = arith.addi %iota3A, %add3A_39 : vector<256x1xi32>
    %jit3A_41 = arith.constant 64 : i32
    %eq3A_42 = arith.constant 0 : i32
    %eq3A_43 = arith.cmpi eq, %jit3A_41, %eq3A_42 : i32
    %jit3A_44 = arith.constant 1 : i32
    %select_n3A_45 = arith.select %eq3A_43, %jit3A_44, %jit3A_41 : i32
    %rem3A_46 = vector.broadcast %select_n3A_45 : i32 to vector<256x1xi32>
    %rem3A_47 = arith.remsi %add3A_40, %rem3A_46 : vector<256x1xi32>
    %ne3A_48 = arith.constant 0 : i32
    %ne3A_49 = vector.broadcast %ne3A_48 : i32 to vector<256x1xi32>
    %ne3A_50 = arith.cmpi ne, %rem3A_47, %ne3A_49 : vector<256x1xi32>
    %lt3A_51 = arith.constant 0 : i32
    %lt3A_52 = vector.broadcast %lt3A_51 : i32 to vector<256x1xi32>
    %lt3A_53 = arith.cmpi slt, %rem3A_47, %lt3A_52 : vector<256x1xi32>
    %lt3A_54 = arith.constant 0 : i32
    %lt3A_55 = arith.cmpi slt, %select_n3A_45, %lt3A_54 : i32
    %ne3A_56 = vector.broadcast %lt3A_55 : i1 to vector<256x1xi1>
    %ne3A_57 = vector.broadcast %ne3A_56 : vector<256x1xi1> to vector<256x1xi1>
    %ne3A_58 = arith.xori %lt3A_53, %ne3A_57 : vector<256x1xi1>
    %and3A_59 = arith.andi %ne3A_58, %ne3A_50 : vector<256x1xi1>
    %add3A_60 = vector.broadcast %select_n3A_45 : i32 to vector<256x1xi32>
    %add3A_61 = arith.addi %rem3A_47, %add3A_60 : vector<256x1xi32>
    %select_n3A_62 = arith.select %and3A_59, %add3A_61, %rem3A_47 : vector<256x1xi1>, vector<256x1xi32>
    %convert_element_type3A = arith.sitofp %select_n3A_62 : vector<256x1xi32> to vector<256x1xf32>
    %div3A_63 = arith.constant 6.300000e+01 : f32
    %div3A_64 = vector.broadcast %div3A_63 : f32 to vector<256x1xf32>
    %div3A_65 = arith.divf %convert_element_type3A, %div3A_64 : vector<256x1xf32>
    %jit3A_66 = arith.constant 64 : i32
    %div3A_67 = vector.broadcast %jit3A_66 : i32 to vector<256x1xi32>
    %div3A_68 = arith.divsi %add3A_40, %div3A_67 : vector<256x1xi32>
    %sign3A_69 = arith.constant 0 : i32
    %sign3A_70 = vector.broadcast %sign3A_69 : i32 to vector<256x1xi32>
    %sign3A_71 = arith.cmpi sgt, %add3A_40, %sign3A_70 : vector<256x1xi32>
    %sign3A_72 = arith.extui %sign3A_71 : vector<256x1xi1> to vector<256x1xi32>
    %sign3A_73 = arith.constant 0 : i32
    %sign3A_74 = vector.broadcast %sign3A_73 : i32 to vector<256x1xi32>
    %sign3A_75 = arith.cmpi slt, %add3A_40, %sign3A_74 : vector<256x1xi32>
    %sign3A_76 = arith.extui %sign3A_75 : vector<256x1xi1> to vector<256x1xi32>
    %sign3A_77 = arith.subi %sign3A_72, %sign3A_76 : vector<256x1xi32>
    %sign3A_78 = arith.constant 0 : i32
    %sign3A_79 = arith.cmpi sgt, %jit3A_66, %sign3A_78 : i32
    %sign3A_80 = arith.extui %sign3A_79 : i1 to i32
    %sign3A_81 = arith.constant 0 : i32
    %sign3A_82 = arith.cmpi slt, %jit3A_66, %sign3A_81 : i32
    %sign3A_83 = arith.extui %sign3A_82 : i1 to i32
    %sign3A_84 = arith.subi %sign3A_80, %sign3A_83 : i32
    %ne3A_85 = vector.broadcast %sign3A_84 : i32 to vector<256x1xi32>
    %ne3A_86 = arith.cmpi ne, %sign3A_77, %ne3A_85 : vector<256x1xi32>
    %rem3A_87 = vector.broadcast %jit3A_66 : i32 to vector<256x1xi32>
    %rem3A_88 = arith.remsi %add3A_40, %rem3A_87 : vector<256x1xi32>
    %ne3A_89 = arith.constant 0 : i32
    %ne3A_90 = vector.broadcast %ne3A_89 : i32 to vector<256x1xi32>
    %ne3A_91 = arith.cmpi ne, %rem3A_88, %ne3A_90 : vector<256x1xi32>
    %and3A_92 = arith.andi %ne3A_86, %ne3A_91 : vector<256x1xi1>
    %sub3A_93 = arith.constant 1 : i32
    %sub3A_94 = vector.broadcast %sub3A_93 : i32 to vector<256x1xi32>
    %sub3A_95 = arith.subi %div3A_68, %sub3A_94 : vector<256x1xi32>
    %select_n3A_96 = arith.select %and3A_92, %sub3A_95, %div3A_68 : vector<256x1xi1>, vector<256x1xi32>
    %convert_element_type3A_97 = arith.sitofp %select_n3A_96 : vector<256x1xi32> to vector<256x1xf32>
    %div3A_98 = arith.constant 6.300000e+01 : f32
    %div3A_99 = vector.broadcast %div3A_98 : f32 to vector<256x1xf32>
    %div3A_100 = arith.divf %convert_element_type3A_97, %div3A_99 : vector<256x1xf32>
    %mul3A_101 = arith.mulf %get3A_19, %get3A_19 : vector<1x4096xf32>
    %mul3A_102 = arith.mulf %get3A_24, %get3A_24 : vector<1x4096xf32>
    %add3A_103 = arith.addf %mul3A_101, %mul3A_102 : vector<1x4096xf32>
    %mul3A_104 = arith.mulf %div3A_65, %div3A_65 : vector<256x1xf32>
    %mul3A_105 = arith.mulf %div3A_100, %div3A_100 : vector<256x1xf32>
    %add3A_106 = arith.addf %mul3A_104, %mul3A_105 : vector<256x1xf32>
    %concatenate3A = tpu.concatenate %div3A_65, %div3A_100 in 1 : vector<256x1xf32>, vector<256x1xf32> -> vector<256x2xf32>
    %concatenate3A_107 = tpu.concatenate %get3A_19, %get3A_24 in 0 : vector<1x4096xf32>, vector<1x4096xf32> -> vector<2x4096xf32>
    %dot_general3A = arith.constant dense<0.000000e+00> : vector<256x4096xf32>
    %dot_general3A_108 = tpu.matmul %concatenate3A, %concatenate3A_107, %dot_general3A {dimension_numbers = #tpu.dot_dimension_numbers<[1], [0], [0], [1], [0, 0, 1, 1], [], []>, transpose_lhs_hint = false} : vector<256x2xf32>, vector<2x4096xf32>, vector<256x4096xf32> -> vector<256x4096xf32>
    %add3A_109 = vector.broadcast %add3A_106 : vector<256x1xf32> to vector<256x4096xf32>
    %add3A_110 = vector.broadcast %add3A_103 : vector<1x4096xf32> to vector<256x4096xf32>
    %add3A_111 = arith.addf %add3A_109, %add3A_110 : vector<256x4096xf32>
    %mul3A_112 = arith.constant 2.000000e+00 : f32
    %mul3A_113 = vector.broadcast %mul3A_112 : f32 to vector<256x4096xf32>
    %mul3A_114 = arith.mulf %mul3A_113, %dot_general3A_108 : vector<256x4096xf32>
    %sub3A_115 = arith.subf %add3A_111, %mul3A_114 : vector<256x4096xf32>
    %iota3A_116 = tpu.iota {dimensions = array<i32: 1>} : vector<256x4096xi32>
    %convert_element_type3A_117 = arith.sitofp %iota3A_116 : vector<256x4096xi32> to vector<256x4096xf32>
    %reduce_min3A = arith.constant dense<0x7F800000> : vector<256xf32>
    %reduce_min3A_118 = vector.multi_reduction <minimumf>, %sub3A_115, %reduce_min3A [1] : vector<256x4096xf32> to vector<256xf32>
    %broadcast_in_dim3A = vector.shape_cast %reduce_min3A_118 : vector<256xf32> to vector<256x1xf32>
    %eq3A_119 = vector.broadcast %broadcast_in_dim3A : vector<256x1xf32> to vector<256x4096xf32>
    %eq3A_120 = arith.cmpf oeq, %sub3A_115, %eq3A_119 : vector<256x4096xf32>
    %jit3A_121 = arith.constant 3.000000e+38 : f32
    %broadcast_in_dim3A_122 = vector.broadcast %jit3A_121 : f32 to vector<256x4096xf32>
    %select_n3A_123 = arith.select %eq3A_120, %convert_element_type3A_117, %broadcast_in_dim3A_122 : vector<256x4096xi1>, vector<256x4096xf32>
    %reduce_min3A_124 = arith.constant dense<0x7F800000> : vector<256xf32>
    %reduce_min3A_125 = vector.multi_reduction <minimumf>, %select_n3A_123, %reduce_min3A_124 [1] : vector<256x4096xf32> to vector<256xf32>
    %broadcast_in_dim3A_126 = vector.shape_cast %reduce_min3A_125 : vector<256xf32> to vector<256x1xf32>
    %convert_element_type3A_127 = arith.fptosi %broadcast_in_dim3A_126 : vector<256x1xf32> to vector<256x1xi32>
    %eq3A_128 = vector.broadcast %broadcast_in_dim3A_126 : vector<256x1xf32> to vector<256x4096xf32>
    %eq3A_129 = arith.cmpf oeq, %convert_element_type3A_117, %eq3A_128 : vector<256x4096xf32>
    %jit3A_130 = arith.constant 3.000000e+38 : f32
    %broadcast_in_dim3A_131 = vector.broadcast %jit3A_130 : f32 to vector<256x4096xf32>
    %select_n3A_132 = arith.select %eq3A_129, %broadcast_in_dim3A_131, %sub3A_115 : vector<256x4096xi1>, vector<256x4096xf32>
    %reduce_min3A_133 = arith.constant dense<0x7F800000> : vector<256xf32>
    %reduce_min3A_134 = vector.multi_reduction <minimumf>, %select_n3A_132, %reduce_min3A_133 [1] : vector<256x4096xf32> to vector<256xf32>
    %broadcast_in_dim3A_135 = vector.shape_cast %reduce_min3A_134 : vector<256xf32> to vector<256x1xf32>
    %eq3A_136 = vector.broadcast %broadcast_in_dim3A_135 : vector<256x1xf32> to vector<256x4096xf32>
    %eq3A_137 = arith.cmpf oeq, %select_n3A_132, %eq3A_136 : vector<256x4096xf32>
    %jit3A_138 = arith.constant 3.000000e+38 : f32
    %broadcast_in_dim3A_139 = vector.broadcast %jit3A_138 : f32 to vector<256x4096xf32>
    %select_n3A_140 = arith.select %eq3A_137, %convert_element_type3A_117, %broadcast_in_dim3A_139 : vector<256x4096xi1>, vector<256x4096xf32>
    %reduce_min3A_141 = arith.constant dense<0x7F800000> : vector<256xf32>
    %reduce_min3A_142 = vector.multi_reduction <minimumf>, %select_n3A_140, %reduce_min3A_141 [1] : vector<256x4096xf32> to vector<256xf32>
    %broadcast_in_dim3A_143 = vector.shape_cast %reduce_min3A_142 : vector<256xf32> to vector<256x1xf32>
    %convert_element_type3A_144 = arith.fptosi %broadcast_in_dim3A_143 : vector<256x1xf32> to vector<256x1xi32>
    %eq3A_145 = vector.broadcast %broadcast_in_dim3A_143 : vector<256x1xf32> to vector<256x4096xf32>
    %eq3A_146 = arith.cmpf oeq, %convert_element_type3A_117, %eq3A_145 : vector<256x4096xf32>
    %jit3A_147 = arith.constant 3.000000e+38 : f32
    %broadcast_in_dim3A_148 = vector.broadcast %jit3A_147 : f32 to vector<256x4096xf32>
    %select_n3A_149 = arith.select %eq3A_146, %broadcast_in_dim3A_148, %select_n3A_132 : vector<256x4096xi1>, vector<256x4096xf32>
    %reduce_min3A_150 = arith.constant dense<0x7F800000> : vector<256xf32>
    %reduce_min3A_151 = vector.multi_reduction <minimumf>, %select_n3A_149, %reduce_min3A_150 [1] : vector<256x4096xf32> to vector<256xf32>
    %broadcast_in_dim3A_152 = vector.shape_cast %reduce_min3A_151 : vector<256xf32> to vector<256x1xf32>
    %eq3A_153 = vector.broadcast %broadcast_in_dim3A_152 : vector<256x1xf32> to vector<256x4096xf32>
    %eq3A_154 = arith.cmpf oeq, %select_n3A_149, %eq3A_153 : vector<256x4096xf32>
    %jit3A_155 = arith.constant 3.000000e+38 : f32
    %broadcast_in_dim3A_156 = vector.broadcast %jit3A_155 : f32 to vector<256x4096xf32>
    %select_n3A_157 = arith.select %eq3A_154, %convert_element_type3A_117, %broadcast_in_dim3A_156 : vector<256x4096xi1>, vector<256x4096xf32>
    %reduce_min3A_158 = arith.constant dense<0x7F800000> : vector<256xf32>
    %reduce_min3A_159 = vector.multi_reduction <minimumf>, %select_n3A_157, %reduce_min3A_158 [1] : vector<256x4096xf32> to vector<256xf32>
    %broadcast_in_dim3A_160 = vector.shape_cast %reduce_min3A_159 : vector<256xf32> to vector<256x1xf32>
    %convert_element_type3A_161 = arith.fptosi %broadcast_in_dim3A_160 : vector<256x1xf32> to vector<256x1xi32>
    %eq3A_162 = vector.broadcast %broadcast_in_dim3A_160 : vector<256x1xf32> to vector<256x4096xf32>
    %eq3A_163 = arith.cmpf oeq, %convert_element_type3A_117, %eq3A_162 : vector<256x4096xf32>
    %jit3A_164 = arith.constant 3.000000e+38 : f32
    %broadcast_in_dim3A_165 = vector.broadcast %jit3A_164 : f32 to vector<256x4096xf32>
    %select_n3A_166 = arith.select %eq3A_163, %broadcast_in_dim3A_165, %select_n3A_149 : vector<256x4096xi1>, vector<256x4096xf32>
    %reduce_min3A_167 = arith.constant dense<0x7F800000> : vector<256xf32>
    %reduce_min3A_168 = vector.multi_reduction <minimumf>, %select_n3A_166, %reduce_min3A_167 [1] : vector<256x4096xf32> to vector<256xf32>
    %broadcast_in_dim3A_169 = vector.shape_cast %reduce_min3A_168 : vector<256xf32> to vector<256x1xf32>
    %eq3A_170 = vector.broadcast %broadcast_in_dim3A_169 : vector<256x1xf32> to vector<256x4096xf32>
    %eq3A_171 = arith.cmpf oeq, %select_n3A_166, %eq3A_170 : vector<256x4096xf32>
    %jit3A_172 = arith.constant 3.000000e+38 : f32
    %broadcast_in_dim3A_173 = vector.broadcast %jit3A_172 : f32 to vector<256x4096xf32>
    %select_n3A_174 = arith.select %eq3A_171, %convert_element_type3A_117, %broadcast_in_dim3A_173 : vector<256x4096xi1>, vector<256x4096xf32>
    %reduce_min3A_175 = arith.constant dense<0x7F800000> : vector<256xf32>
    %reduce_min3A_176 = vector.multi_reduction <minimumf>, %select_n3A_174, %reduce_min3A_175 [1] : vector<256x4096xf32> to vector<256xf32>
    %broadcast_in_dim3A_177 = vector.shape_cast %reduce_min3A_176 : vector<256xf32> to vector<256x1xf32>
    %convert_element_type3A_178 = arith.fptosi %broadcast_in_dim3A_177 : vector<256x1xf32> to vector<256x1xi32>
    %eq3A_179 = vector.broadcast %broadcast_in_dim3A_177 : vector<256x1xf32> to vector<256x4096xf32>
    %eq3A_180 = arith.cmpf oeq, %convert_element_type3A_117, %eq3A_179 : vector<256x4096xf32>
    %jit3A_181 = arith.constant 3.000000e+38 : f32
    %broadcast_in_dim3A_182 = vector.broadcast %jit3A_181 : f32 to vector<256x4096xf32>
    %select_n3A_183 = arith.select %eq3A_180, %broadcast_in_dim3A_182, %select_n3A_166 : vector<256x4096xi1>, vector<256x4096xf32>
    %reduce_min3A_184 = arith.constant dense<0x7F800000> : vector<256xf32>
    %reduce_min3A_185 = vector.multi_reduction <minimumf>, %select_n3A_183, %reduce_min3A_184 [1] : vector<256x4096xf32> to vector<256xf32>
    %broadcast_in_dim3A_186 = vector.shape_cast %reduce_min3A_185 : vector<256xf32> to vector<256x1xf32>
    %eq3A_187 = vector.broadcast %broadcast_in_dim3A_186 : vector<256x1xf32> to vector<256x4096xf32>
    %eq3A_188 = arith.cmpf oeq, %select_n3A_183, %eq3A_187 : vector<256x4096xf32>
    %jit3A_189 = arith.constant 3.000000e+38 : f32
    %broadcast_in_dim3A_190 = vector.broadcast %jit3A_189 : f32 to vector<256x4096xf32>
    %select_n3A_191 = arith.select %eq3A_188, %convert_element_type3A_117, %broadcast_in_dim3A_190 : vector<256x4096xi1>, vector<256x4096xf32>
    %reduce_min3A_192 = arith.constant dense<0x7F800000> : vector<256xf32>
    %reduce_min3A_193 = vector.multi_reduction <minimumf>, %select_n3A_191, %reduce_min3A_192 [1] : vector<256x4096xf32> to vector<256xf32>
    %broadcast_in_dim3A_194 = vector.shape_cast %reduce_min3A_193 : vector<256xf32> to vector<256x1xf32>
    %convert_element_type3A_195 = arith.fptosi %broadcast_in_dim3A_194 : vector<256x1xf32> to vector<256x1xi32>
    %eq3A_196 = vector.broadcast %broadcast_in_dim3A_194 : vector<256x1xf32> to vector<256x4096xf32>
    %eq3A_197 = arith.cmpf oeq, %convert_element_type3A_117, %eq3A_196 : vector<256x4096xf32>
    %jit3A_198 = arith.constant 3.000000e+38 : f32
    %broadcast_in_dim3A_199 = vector.broadcast %jit3A_198 : f32 to vector<256x4096xf32>
    %select_n3A_200 = arith.select %eq3A_197, %broadcast_in_dim3A_199, %select_n3A_183 : vector<256x4096xi1>, vector<256x4096xf32>
    %reduce_min3A_201 = arith.constant dense<0x7F800000> : vector<256xf32>
    %reduce_min3A_202 = vector.multi_reduction <minimumf>, %select_n3A_200, %reduce_min3A_201 [1] : vector<256x4096xf32> to vector<256xf32>
    %broadcast_in_dim3A_203 = vector.shape_cast %reduce_min3A_202 : vector<256xf32> to vector<256x1xf32>
    %eq3A_204 = vector.broadcast %broadcast_in_dim3A_203 : vector<256x1xf32> to vector<256x4096xf32>
    %eq3A_205 = arith.cmpf oeq, %select_n3A_200, %eq3A_204 : vector<256x4096xf32>
    %jit3A_206 = arith.constant 3.000000e+38 : f32
    %broadcast_in_dim3A_207 = vector.broadcast %jit3A_206 : f32 to vector<256x4096xf32>
    %select_n3A_208 = arith.select %eq3A_205, %convert_element_type3A_117, %broadcast_in_dim3A_207 : vector<256x4096xi1>, vector<256x4096xf32>
    %reduce_min3A_209 = arith.constant dense<0x7F800000> : vector<256xf32>
    %reduce_min3A_210 = vector.multi_reduction <minimumf>, %select_n3A_208, %reduce_min3A_209 [1] : vector<256x4096xf32> to vector<256xf32>
    %broadcast_in_dim3A_211 = vector.shape_cast %reduce_min3A_210 : vector<256xf32> to vector<256x1xf32>
    %convert_element_type3A_212 = arith.fptosi %broadcast_in_dim3A_211 : vector<256x1xf32> to vector<256x1xi32>
    %eq3A_213 = vector.broadcast %broadcast_in_dim3A_211 : vector<256x1xf32> to vector<256x4096xf32>
    %eq3A_214 = arith.cmpf oeq, %convert_element_type3A_117, %eq3A_213 : vector<256x4096xf32>
    %jit3A_215 = arith.constant 3.000000e+38 : f32
    %broadcast_in_dim3A_216 = vector.broadcast %jit3A_215 : f32 to vector<256x4096xf32>
    %select_n3A_217 = arith.select %eq3A_214, %broadcast_in_dim3A_216, %select_n3A_200 : vector<256x4096xi1>, vector<256x4096xf32>
    %reduce_min3A_218 = arith.constant dense<0x7F800000> : vector<256xf32>
    %reduce_min3A_219 = vector.multi_reduction <minimumf>, %select_n3A_217, %reduce_min3A_218 [1] : vector<256x4096xf32> to vector<256xf32>
    %broadcast_in_dim3A_220 = vector.shape_cast %reduce_min3A_219 : vector<256xf32> to vector<256x1xf32>
    %eq3A_221 = vector.broadcast %broadcast_in_dim3A_220 : vector<256x1xf32> to vector<256x4096xf32>
    %eq3A_222 = arith.cmpf oeq, %select_n3A_217, %eq3A_221 : vector<256x4096xf32>
    %jit3A_223 = arith.constant 3.000000e+38 : f32
    %broadcast_in_dim3A_224 = vector.broadcast %jit3A_223 : f32 to vector<256x4096xf32>
    %select_n3A_225 = arith.select %eq3A_222, %convert_element_type3A_117, %broadcast_in_dim3A_224 : vector<256x4096xi1>, vector<256x4096xf32>
    %reduce_min3A_226 = arith.constant dense<0x7F800000> : vector<256xf32>
    %reduce_min3A_227 = vector.multi_reduction <minimumf>, %select_n3A_225, %reduce_min3A_226 [1] : vector<256x4096xf32> to vector<256xf32>
    %broadcast_in_dim3A_228 = vector.shape_cast %reduce_min3A_227 : vector<256xf32> to vector<256x1xf32>
    %convert_element_type3A_229 = arith.fptosi %broadcast_in_dim3A_228 : vector<256x1xf32> to vector<256x1xi32>
    %eq3A_230 = vector.broadcast %broadcast_in_dim3A_228 : vector<256x1xf32> to vector<256x4096xf32>
    %eq3A_231 = arith.cmpf oeq, %convert_element_type3A_117, %eq3A_230 : vector<256x4096xf32>
    %jit3A_232 = arith.constant 3.000000e+38 : f32
    %broadcast_in_dim3A_233 = vector.broadcast %jit3A_232 : f32 to vector<256x4096xf32>
    %select_n3A_234 = arith.select %eq3A_231, %broadcast_in_dim3A_233, %select_n3A_217 : vector<256x4096xi1>, vector<256x4096xf32>
    %reduce_min3A_235 = arith.constant dense<0x7F800000> : vector<256xf32>
    %reduce_min3A_236 = vector.multi_reduction <minimumf>, %select_n3A_234, %reduce_min3A_235 [1] : vector<256x4096xf32> to vector<256xf32>
    %broadcast_in_dim3A_237 = vector.shape_cast %reduce_min3A_236 : vector<256xf32> to vector<256x1xf32>
    %eq3A_238 = vector.broadcast %broadcast_in_dim3A_237 : vector<256x1xf32> to vector<256x4096xf32>
    %eq3A_239 = arith.cmpf oeq, %select_n3A_234, %eq3A_238 : vector<256x4096xf32>
    %jit3A_240 = arith.constant 3.000000e+38 : f32
    %broadcast_in_dim3A_241 = vector.broadcast %jit3A_240 : f32 to vector<256x4096xf32>
    %select_n3A_242 = arith.select %eq3A_239, %convert_element_type3A_117, %broadcast_in_dim3A_241 : vector<256x4096xi1>, vector<256x4096xf32>
    %reduce_min3A_243 = arith.constant dense<0x7F800000> : vector<256xf32>
    %reduce_min3A_244 = vector.multi_reduction <minimumf>, %select_n3A_242, %reduce_min3A_243 [1] : vector<256x4096xf32> to vector<256xf32>
    %broadcast_in_dim3A_245 = vector.shape_cast %reduce_min3A_244 : vector<256xf32> to vector<256x1xf32>
    %convert_element_type3A_246 = arith.fptosi %broadcast_in_dim3A_245 : vector<256x1xf32> to vector<256x1xi32>
    %eq3A_247 = vector.broadcast %broadcast_in_dim3A_245 : vector<256x1xf32> to vector<256x4096xf32>
    %eq3A_248 = arith.cmpf oeq, %convert_element_type3A_117, %eq3A_247 : vector<256x4096xf32>
    %jit3A_249 = arith.constant 3.000000e+38 : f32
    %broadcast_in_dim3A_250 = vector.broadcast %jit3A_249 : f32 to vector<256x4096xf32>
    %select_n3A_251 = arith.select %eq3A_248, %broadcast_in_dim3A_250, %select_n3A_234 : vector<256x4096xi1>, vector<256x4096xf32>
    %reduce_min3A_252 = arith.constant dense<0x7F800000> : vector<256xf32>
    %reduce_min3A_253 = vector.multi_reduction <minimumf>, %select_n3A_251, %reduce_min3A_252 [1] : vector<256x4096xf32> to vector<256xf32>
    %broadcast_in_dim3A_254 = vector.shape_cast %reduce_min3A_253 : vector<256xf32> to vector<256x1xf32>
    %eq3A_255 = vector.broadcast %broadcast_in_dim3A_254 : vector<256x1xf32> to vector<256x4096xf32>
    %eq3A_256 = arith.cmpf oeq, %select_n3A_251, %eq3A_255 : vector<256x4096xf32>
    %jit3A_257 = arith.constant 3.000000e+38 : f32
    %broadcast_in_dim3A_258 = vector.broadcast %jit3A_257 : f32 to vector<256x4096xf32>
    %select_n3A_259 = arith.select %eq3A_256, %convert_element_type3A_117, %broadcast_in_dim3A_258 : vector<256x4096xi1>, vector<256x4096xf32>
    %reduce_min3A_260 = arith.constant dense<0x7F800000> : vector<256xf32>
    %reduce_min3A_261 = vector.multi_reduction <minimumf>, %select_n3A_259, %reduce_min3A_260 [1] : vector<256x4096xf32> to vector<256xf32>
    %broadcast_in_dim3A_262 = vector.shape_cast %reduce_min3A_261 : vector<256xf32> to vector<256x1xf32>
    %convert_element_type3A_263 = arith.fptosi %broadcast_in_dim3A_262 : vector<256x1xf32> to vector<256x1xi32>
    %eq3A_264 = vector.broadcast %broadcast_in_dim3A_262 : vector<256x1xf32> to vector<256x4096xf32>
    %eq3A_265 = arith.cmpf oeq, %convert_element_type3A_117, %eq3A_264 : vector<256x4096xf32>
    %jit3A_266 = arith.constant 3.000000e+38 : f32
    %broadcast_in_dim3A_267 = vector.broadcast %jit3A_266 : f32 to vector<256x4096xf32>
    %select_n3A_268 = arith.select %eq3A_265, %broadcast_in_dim3A_267, %select_n3A_251 : vector<256x4096xi1>, vector<256x4096xf32>
    %reduce_min3A_269 = arith.constant dense<0x7F800000> : vector<256xf32>
    %reduce_min3A_270 = vector.multi_reduction <minimumf>, %select_n3A_268, %reduce_min3A_269 [1] : vector<256x4096xf32> to vector<256xf32>
    %broadcast_in_dim3A_271 = vector.shape_cast %reduce_min3A_270 : vector<256xf32> to vector<256x1xf32>
    %eq3A_272 = vector.broadcast %broadcast_in_dim3A_271 : vector<256x1xf32> to vector<256x4096xf32>
    %eq3A_273 = arith.cmpf oeq, %select_n3A_268, %eq3A_272 : vector<256x4096xf32>
    %jit3A_274 = arith.constant 3.000000e+38 : f32
    %broadcast_in_dim3A_275 = vector.broadcast %jit3A_274 : f32 to vector<256x4096xf32>
    %select_n3A_276 = arith.select %eq3A_273, %convert_element_type3A_117, %broadcast_in_dim3A_275 : vector<256x4096xi1>, vector<256x4096xf32>
    %reduce_min3A_277 = arith.constant dense<0x7F800000> : vector<256xf32>
    %reduce_min3A_278 = vector.multi_reduction <minimumf>, %select_n3A_276, %reduce_min3A_277 [1] : vector<256x4096xf32> to vector<256xf32>
    %broadcast_in_dim3A_279 = vector.shape_cast %reduce_min3A_278 : vector<256xf32> to vector<256x1xf32>
    %convert_element_type3A_280 = arith.fptosi %broadcast_in_dim3A_279 : vector<256x1xf32> to vector<256x1xi32>
    %eq3A_281 = vector.broadcast %broadcast_in_dim3A_279 : vector<256x1xf32> to vector<256x4096xf32>
    %eq3A_282 = arith.cmpf oeq, %convert_element_type3A_117, %eq3A_281 : vector<256x4096xf32>
    %jit3A_283 = arith.constant 3.000000e+38 : f32
    %broadcast_in_dim3A_284 = vector.broadcast %jit3A_283 : f32 to vector<256x4096xf32>
    %select_n3A_285 = arith.select %eq3A_282, %broadcast_in_dim3A_284, %select_n3A_268 : vector<256x4096xi1>, vector<256x4096xf32>
    %reduce_min3A_286 = arith.constant dense<0x7F800000> : vector<256xf32>
    %reduce_min3A_287 = vector.multi_reduction <minimumf>, %select_n3A_285, %reduce_min3A_286 [1] : vector<256x4096xf32> to vector<256xf32>
    %broadcast_in_dim3A_288 = vector.shape_cast %reduce_min3A_287 : vector<256xf32> to vector<256x1xf32>
    %eq3A_289 = vector.broadcast %broadcast_in_dim3A_288 : vector<256x1xf32> to vector<256x4096xf32>
    %eq3A_290 = arith.cmpf oeq, %select_n3A_285, %eq3A_289 : vector<256x4096xf32>
    %jit3A_291 = arith.constant 3.000000e+38 : f32
    %broadcast_in_dim3A_292 = vector.broadcast %jit3A_291 : f32 to vector<256x4096xf32>
    %select_n3A_293 = arith.select %eq3A_290, %convert_element_type3A_117, %broadcast_in_dim3A_292 : vector<256x4096xi1>, vector<256x4096xf32>
    %reduce_min3A_294 = arith.constant dense<0x7F800000> : vector<256xf32>
    %reduce_min3A_295 = vector.multi_reduction <minimumf>, %select_n3A_293, %reduce_min3A_294 [1] : vector<256x4096xf32> to vector<256xf32>
    %broadcast_in_dim3A_296 = vector.shape_cast %reduce_min3A_295 : vector<256xf32> to vector<256x1xf32>
    %convert_element_type3A_297 = arith.fptosi %broadcast_in_dim3A_296 : vector<256x1xf32> to vector<256x1xi32>
    %eq3A_298 = vector.broadcast %broadcast_in_dim3A_296 : vector<256x1xf32> to vector<256x4096xf32>
    %eq3A_299 = arith.cmpf oeq, %convert_element_type3A_117, %eq3A_298 : vector<256x4096xf32>
    %jit3A_300 = arith.constant 3.000000e+38 : f32
    %broadcast_in_dim3A_301 = vector.broadcast %jit3A_300 : f32 to vector<256x4096xf32>
    %select_n3A_302 = arith.select %eq3A_299, %broadcast_in_dim3A_301, %select_n3A_285 : vector<256x4096xi1>, vector<256x4096xf32>
    %reduce_min3A_303 = arith.constant dense<0x7F800000> : vector<256xf32>
    %reduce_min3A_304 = vector.multi_reduction <minimumf>, %select_n3A_302, %reduce_min3A_303 [1] : vector<256x4096xf32> to vector<256xf32>
    %broadcast_in_dim3A_305 = vector.shape_cast %reduce_min3A_304 : vector<256xf32> to vector<256x1xf32>
    %eq3A_306 = vector.broadcast %broadcast_in_dim3A_305 : vector<256x1xf32> to vector<256x4096xf32>
    %eq3A_307 = arith.cmpf oeq, %select_n3A_302, %eq3A_306 : vector<256x4096xf32>
    %jit3A_308 = arith.constant 3.000000e+38 : f32
    %broadcast_in_dim3A_309 = vector.broadcast %jit3A_308 : f32 to vector<256x4096xf32>
    %select_n3A_310 = arith.select %eq3A_307, %convert_element_type3A_117, %broadcast_in_dim3A_309 : vector<256x4096xi1>, vector<256x4096xf32>
    %reduce_min3A_311 = arith.constant dense<0x7F800000> : vector<256xf32>
    %reduce_min3A_312 = vector.multi_reduction <minimumf>, %select_n3A_310, %reduce_min3A_311 [1] : vector<256x4096xf32> to vector<256xf32>
    %broadcast_in_dim3A_313 = vector.shape_cast %reduce_min3A_312 : vector<256xf32> to vector<256x1xf32>
    %convert_element_type3A_314 = arith.fptosi %broadcast_in_dim3A_313 : vector<256x1xf32> to vector<256x1xi32>
    %eq3A_315 = vector.broadcast %broadcast_in_dim3A_313 : vector<256x1xf32> to vector<256x4096xf32>
    %eq3A_316 = arith.cmpf oeq, %convert_element_type3A_117, %eq3A_315 : vector<256x4096xf32>
    %jit3A_317 = arith.constant 3.000000e+38 : f32
    %broadcast_in_dim3A_318 = vector.broadcast %jit3A_317 : f32 to vector<256x4096xf32>
    %select_n3A_319 = arith.select %eq3A_316, %broadcast_in_dim3A_318, %select_n3A_302 : vector<256x4096xi1>, vector<256x4096xf32>
    %reduce_min3A_320 = arith.constant dense<0x7F800000> : vector<256xf32>
    %reduce_min3A_321 = vector.multi_reduction <minimumf>, %select_n3A_319, %reduce_min3A_320 [1] : vector<256x4096xf32> to vector<256xf32>
    %broadcast_in_dim3A_322 = vector.shape_cast %reduce_min3A_321 : vector<256xf32> to vector<256x1xf32>
    %eq3A_323 = vector.broadcast %broadcast_in_dim3A_322 : vector<256x1xf32> to vector<256x4096xf32>
    %eq3A_324 = arith.cmpf oeq, %select_n3A_319, %eq3A_323 : vector<256x4096xf32>
    %jit3A_325 = arith.constant 3.000000e+38 : f32
    %broadcast_in_dim3A_326 = vector.broadcast %jit3A_325 : f32 to vector<256x4096xf32>
    %select_n3A_327 = arith.select %eq3A_324, %convert_element_type3A_117, %broadcast_in_dim3A_326 : vector<256x4096xi1>, vector<256x4096xf32>
    %reduce_min3A_328 = arith.constant dense<0x7F800000> : vector<256xf32>
    %reduce_min3A_329 = vector.multi_reduction <minimumf>, %select_n3A_327, %reduce_min3A_328 [1] : vector<256x4096xf32> to vector<256xf32>
    %broadcast_in_dim3A_330 = vector.shape_cast %reduce_min3A_329 : vector<256xf32> to vector<256x1xf32>
    %convert_element_type3A_331 = arith.fptosi %broadcast_in_dim3A_330 : vector<256x1xf32> to vector<256x1xi32>
    %eq3A_332 = vector.broadcast %broadcast_in_dim3A_330 : vector<256x1xf32> to vector<256x4096xf32>
    %eq3A_333 = arith.cmpf oeq, %convert_element_type3A_117, %eq3A_332 : vector<256x4096xf32>
    %jit3A_334 = arith.constant 3.000000e+38 : f32
    %broadcast_in_dim3A_335 = vector.broadcast %jit3A_334 : f32 to vector<256x4096xf32>
    %select_n3A_336 = arith.select %eq3A_333, %broadcast_in_dim3A_335, %select_n3A_319 : vector<256x4096xi1>, vector<256x4096xf32>
    %reduce_min3A_337 = arith.constant dense<0x7F800000> : vector<256xf32>
    %reduce_min3A_338 = vector.multi_reduction <minimumf>, %select_n3A_336, %reduce_min3A_337 [1] : vector<256x4096xf32> to vector<256xf32>
    %broadcast_in_dim3A_339 = vector.shape_cast %reduce_min3A_338 : vector<256xf32> to vector<256x1xf32>
    %eq3A_340 = vector.broadcast %broadcast_in_dim3A_339 : vector<256x1xf32> to vector<256x4096xf32>
    %eq3A_341 = arith.cmpf oeq, %select_n3A_336, %eq3A_340 : vector<256x4096xf32>
    %jit3A_342 = arith.constant 3.000000e+38 : f32
    %broadcast_in_dim3A_343 = vector.broadcast %jit3A_342 : f32 to vector<256x4096xf32>
    %select_n3A_344 = arith.select %eq3A_341, %convert_element_type3A_117, %broadcast_in_dim3A_343 : vector<256x4096xi1>, vector<256x4096xf32>
    %reduce_min3A_345 = arith.constant dense<0x7F800000> : vector<256xf32>
    %reduce_min3A_346 = vector.multi_reduction <minimumf>, %select_n3A_344, %reduce_min3A_345 [1] : vector<256x4096xf32> to vector<256xf32>
    %broadcast_in_dim3A_347 = vector.shape_cast %reduce_min3A_346 : vector<256xf32> to vector<256x1xf32>
    %convert_element_type3A_348 = arith.fptosi %broadcast_in_dim3A_347 : vector<256x1xf32> to vector<256x1xi32>
    %eq3A_349 = vector.broadcast %broadcast_in_dim3A_347 : vector<256x1xf32> to vector<256x4096xf32>
    %eq3A_350 = arith.cmpf oeq, %convert_element_type3A_117, %eq3A_349 : vector<256x4096xf32>
    %jit3A_351 = arith.constant 3.000000e+38 : f32
    %broadcast_in_dim3A_352 = vector.broadcast %jit3A_351 : f32 to vector<256x4096xf32>
    %select_n3A_353 = arith.select %eq3A_350, %broadcast_in_dim3A_352, %select_n3A_336 : vector<256x4096xi1>, vector<256x4096xf32>
    %reduce_min3A_354 = arith.constant dense<0x7F800000> : vector<256xf32>
    %reduce_min3A_355 = vector.multi_reduction <minimumf>, %select_n3A_353, %reduce_min3A_354 [1] : vector<256x4096xf32> to vector<256xf32>
    %broadcast_in_dim3A_356 = vector.shape_cast %reduce_min3A_355 : vector<256xf32> to vector<256x1xf32>
    %eq3A_357 = vector.broadcast %broadcast_in_dim3A_356 : vector<256x1xf32> to vector<256x4096xf32>
    %eq3A_358 = arith.cmpf oeq, %select_n3A_353, %eq3A_357 : vector<256x4096xf32>
    %jit3A_359 = arith.constant 3.000000e+38 : f32
    %broadcast_in_dim3A_360 = vector.broadcast %jit3A_359 : f32 to vector<256x4096xf32>
    %select_n3A_361 = arith.select %eq3A_358, %convert_element_type3A_117, %broadcast_in_dim3A_360 : vector<256x4096xi1>, vector<256x4096xf32>
    %reduce_min3A_362 = arith.constant dense<0x7F800000> : vector<256xf32>
    %reduce_min3A_363 = vector.multi_reduction <minimumf>, %select_n3A_361, %reduce_min3A_362 [1] : vector<256x4096xf32> to vector<256xf32>
    %broadcast_in_dim3A_364 = vector.shape_cast %reduce_min3A_363 : vector<256xf32> to vector<256x1xf32>
    %convert_element_type3A_365 = arith.fptosi %broadcast_in_dim3A_364 : vector<256x1xf32> to vector<256x1xi32>
    %eq3A_366 = vector.broadcast %broadcast_in_dim3A_364 : vector<256x1xf32> to vector<256x4096xf32>
    %eq3A_367 = arith.cmpf oeq, %convert_element_type3A_117, %eq3A_366 : vector<256x4096xf32>
    %jit3A_368 = arith.constant 3.000000e+38 : f32
    %broadcast_in_dim3A_369 = vector.broadcast %jit3A_368 : f32 to vector<256x4096xf32>
    %select_n3A_370 = arith.select %eq3A_367, %broadcast_in_dim3A_369, %select_n3A_353 : vector<256x4096xi1>, vector<256x4096xf32>
    %reduce_min3A_371 = arith.constant dense<0x7F800000> : vector<256xf32>
    %reduce_min3A_372 = vector.multi_reduction <minimumf>, %select_n3A_370, %reduce_min3A_371 [1] : vector<256x4096xf32> to vector<256xf32>
    %broadcast_in_dim3A_373 = vector.shape_cast %reduce_min3A_372 : vector<256xf32> to vector<256x1xf32>
    %eq3A_374 = vector.broadcast %broadcast_in_dim3A_373 : vector<256x1xf32> to vector<256x4096xf32>
    %eq3A_375 = arith.cmpf oeq, %select_n3A_370, %eq3A_374 : vector<256x4096xf32>
    %jit3A_376 = arith.constant 3.000000e+38 : f32
    %broadcast_in_dim3A_377 = vector.broadcast %jit3A_376 : f32 to vector<256x4096xf32>
    %select_n3A_378 = arith.select %eq3A_375, %convert_element_type3A_117, %broadcast_in_dim3A_377 : vector<256x4096xi1>, vector<256x4096xf32>
    %reduce_min3A_379 = arith.constant dense<0x7F800000> : vector<256xf32>
    %reduce_min3A_380 = vector.multi_reduction <minimumf>, %select_n3A_378, %reduce_min3A_379 [1] : vector<256x4096xf32> to vector<256xf32>
    %broadcast_in_dim3A_381 = vector.shape_cast %reduce_min3A_380 : vector<256xf32> to vector<256x1xf32>
    %convert_element_type3A_382 = arith.fptosi %broadcast_in_dim3A_381 : vector<256x1xf32> to vector<256x1xi32>
    %concatenate3A_383 = tpu.concatenate %convert_element_type3A_127, %convert_element_type3A_144, %convert_element_type3A_161, %convert_element_type3A_178, %convert_element_type3A_195, %convert_element_type3A_212, %convert_element_type3A_229, %convert_element_type3A_246, %convert_element_type3A_263, %convert_element_type3A_280, %convert_element_type3A_297, %convert_element_type3A_314, %convert_element_type3A_331, %convert_element_type3A_348, %convert_element_type3A_365, %convert_element_type3A_382 in 1 : vector<256x1xi32>, vector<256x1xi32>, vector<256x1xi32>, vector<256x1xi32>, vector<256x1xi32>, vector<256x1xi32>, vector<256x1xi32>, vector<256x1xi32>, vector<256x1xi32>, vector<256x1xi32>, vector<256x1xi32>, vector<256x1xi32>, vector<256x1xi32>, vector<256x1xi32>, vector<256x1xi32>, vector<256x1xi32> -> vector<256x16xi32>
    %mul3A_384 = arith.constant 4096 : i32
    %mul3A_385 = arith.muli %select_n3A, %mul3A_384 : i32
    %add3A_386 = vector.broadcast %mul3A_385 : i32 to vector<256x16xi32>
    %add3A_387 = arith.addi %concatenate3A_383, %add3A_386 : vector<256x16xi32>
    %swap3A = arith.constant 0 : index
    %swap3A_388 = arith.constant 0 : index
    %swap3A_389 = vector.load %arg3[%swap3A, %swap3A_388] : memref<256x16xi32, #tpu.memory_space<vmem>>, vector<256x16xi32>
    tpu.vector_store %arg3[%swap3A, %swap3A_388], %add3A_387 {strides = array<i32>} : memref<256x16xi32, #tpu.memory_space<vmem>>, vector<256x16xi32>,
    return
  }
  func.func @transform_0(%arg0: i32) -> (i32, i32, i32) {
    %jit3A = arith.constant 16 : i32
    %div3A = arith.divsi %arg0, %jit3A : i32
    %sign3A = arith.constant 0 : i32
    %sign3A_0 = arith.cmpi sgt, %arg0, %sign3A : i32
    %sign3A_1 = arith.extui %sign3A_0 : i1 to i32
    %sign3A_2 = arith.constant 0 : i32
    %sign3A_3 = arith.cmpi slt, %arg0, %sign3A_2 : i32
    %sign3A_4 = arith.extui %sign3A_3 : i1 to i32
    %sign3A_5 = arith.subi %sign3A_1, %sign3A_4 : i32
    %sign3A_6 = arith.constant 0 : i32
    %sign3A_7 = arith.cmpi sgt, %jit3A, %sign3A_6 : i32
    %sign3A_8 = arith.extui %sign3A_7 : i1 to i32
    %sign3A_9 = arith.constant 0 : i32
    %sign3A_10 = arith.cmpi slt, %jit3A, %sign3A_9 : i32
    %sign3A_11 = arith.extui %sign3A_10 : i1 to i32
    %sign3A_12 = arith.subi %sign3A_8, %sign3A_11 : i32
    %ne3A = arith.cmpi ne, %sign3A_5, %sign3A_12 : i32
    %rem3A = arith.remsi %arg0, %jit3A : i32
    %ne3A_13 = arith.constant 0 : i32
    %ne3A_14 = arith.cmpi ne, %rem3A, %ne3A_13 : i32
    %and3A = arith.andi %ne3A, %ne3A_14 : i1
    %sub3A = arith.constant 1 : i32
    %sub3A_15 = arith.subi %div3A, %sub3A : i32
    %select_n3A = arith.select %and3A, %sub3A_15, %div3A : i32
    %c0_i32 = arith.constant 0 : i32
    %c0_i32_16 = arith.constant 0 : i32
    %c0_i32_17 = arith.constant 0 : i32
    return %select_n3A, %c0_i32, %c0_i32_16 : i32, i32, i32
  }
  func.func @transform_1(%arg0: i32) -> (i32, i32, i32) {
    %jit3A = arith.constant 16 : i32
    %div3A = arith.divsi %arg0, %jit3A : i32
    %sign3A = arith.constant 0 : i32
    %sign3A_0 = arith.cmpi sgt, %arg0, %sign3A : i32
    %sign3A_1 = arith.extui %sign3A_0 : i1 to i32
    %sign3A_2 = arith.constant 0 : i32
    %sign3A_3 = arith.cmpi slt, %arg0, %sign3A_2 : i32
    %sign3A_4 = arith.extui %sign3A_3 : i1 to i32
    %sign3A_5 = arith.subi %sign3A_1, %sign3A_4 : i32
    %sign3A_6 = arith.constant 0 : i32
    %sign3A_7 = arith.cmpi sgt, %jit3A, %sign3A_6 : i32
    %sign3A_8 = arith.extui %sign3A_7 : i1 to i32
    %sign3A_9 = arith.constant 0 : i32
    %sign3A_10 = arith.cmpi slt, %jit3A, %sign3A_9 : i32
    %sign3A_11 = arith.extui %sign3A_10 : i1 to i32
    %sign3A_12 = arith.subi %sign3A_8, %sign3A_11 : i32
    %ne3A = arith.cmpi ne, %sign3A_5, %sign3A_12 : i32
    %rem3A = arith.remsi %arg0, %jit3A : i32
    %ne3A_13 = arith.constant 0 : i32
    %ne3A_14 = arith.cmpi ne, %rem3A, %ne3A_13 : i32
    %and3A = arith.andi %ne3A, %ne3A_14 : i1
    %sub3A = arith.constant 1 : i32
    %sub3A_15 = arith.subi %div3A, %sub3A : i32
    %select_n3A = arith.select %and3A, %sub3A_15, %div3A : i32
    %c0_i32 = arith.constant 0 : i32
    %c0_i32_16 = arith.constant 0 : i32
    %c0_i32_17 = arith.constant 0 : i32
    return %select_n3A, %c0_i32, %c0_i32_16 : i32, i32, i32
  }
  func.func @transform_2(%arg0: i32) -> (i32, i32) {
    %c0_i32 = arith.constant 0 : i32
    %c0_i32_0 = arith.constant 0 : i32
    return %arg0, %c0_i32 : i32, i32
  }
}

module attributes {stable_mosaic.version = 14 : i64} {
  func.func @_epilogue_body(%arg0: i32, %arg1: memref<256x256xf32, #tpu.memory_space<vmem>>, %arg2: memref<4096x128xf32, #tpu.memory_space<vmem>>, %arg3: memref<4096x1xi32, #tpu.memory_space<vmem>>, %arg4: memref<1x256xf32, #tpu.memory_space<vmem>>, %arg5: memref<1x256xf32, #tpu.memory_space<vmem>>, %arg6: memref<1x384xf32, #tpu.memory_space<vmem>>, %arg7: memref<1x384xf32, #tpu.memory_space<vmem>>, %arg8: memref<256x384xf32, #tpu.memory_space<vmem>>, %arg9: memref<128x768xf32, #tpu.memory_space<vmem>>, %arg10: memref<17x768xf32, #tpu.memory_space<vmem>>, %arg11: memref<17x768xf32, #tpu.memory_space<vmem>>, %arg12: memref<384x384xf32, #tpu.memory_space<vmem>>, %arg13: memref<256x384xf32, #tpu.memory_space<vmem>>) attributes {dimension_semantics = [#tpu.dimension_semantics<arbitrary>], iteration_bounds = array<i64: 32>, scalar_prefetch = 0 : i64, scratch_operands = 0 : i64, tpu.core_type = #tpu.core_type<tc>, window_params = [{transform_indices = @transform_0, window_bounds = array<i64: 256, 256>}, {transform_indices = @transform_1, window_bounds = array<i64: 4096, 128>}, {transform_indices = @transform_2, window_bounds = array<i64: 4096, 1>}, {pipeline_mode = #tpu.pipeline_mode<synchronous>, transform_indices = @transform_3, window_bounds = array<i64: 1, 256>}, {pipeline_mode = #tpu.pipeline_mode<synchronous>, transform_indices = @transform_4, window_bounds = array<i64: 1, 256>}, {pipeline_mode = #tpu.pipeline_mode<synchronous>, transform_indices = @transform_5, window_bounds = array<i64: 1, 384>}, {pipeline_mode = #tpu.pipeline_mode<synchronous>, transform_indices = @transform_6, window_bounds = array<i64: 1, 384>}, {pipeline_mode = #tpu.pipeline_mode<synchronous>, transform_indices = @transform_7, window_bounds = array<i64: 256, 384>}, {pipeline_mode = #tpu.pipeline_mode<synchronous>, transform_indices = @transform_8, window_bounds = array<i64: 128, 768>}, {pipeline_mode = #tpu.pipeline_mode<synchronous>, transform_indices = @transform_9, window_bounds = array<i64: 17, 768>}, {pipeline_mode = #tpu.pipeline_mode<synchronous>, transform_indices = @transform_10, window_bounds = array<i64: 17, 768>}, {pipeline_mode = #tpu.pipeline_mode<synchronous>, transform_indices = @transform_11, window_bounds = array<i64: 384, 384>}, {transform_indices = @transform_12, window_bounds = array<i64: 256, 384>}]} {
    %iota3A = tpu.iota {dimensions = array<i32: 0>} : vector<384x6xi32>
    %jit3A = arith.constant 64 : i32
    %div3A = vector.broadcast %jit3A : i32 to vector<384x6xi32>
    %div3A_0 = arith.divsi %iota3A, %div3A : vector<384x6xi32>
    %sign3A = arith.constant 0 : i32
    %sign3A_1 = vector.broadcast %sign3A : i32 to vector<384x6xi32>
    %sign3A_2 = arith.cmpi sgt, %iota3A, %sign3A_1 : vector<384x6xi32>
    %sign3A_3 = arith.extui %sign3A_2 : vector<384x6xi1> to vector<384x6xi32>
    %sign3A_4 = arith.constant 0 : i32
    %sign3A_5 = vector.broadcast %sign3A_4 : i32 to vector<384x6xi32>
    %sign3A_6 = arith.cmpi slt, %iota3A, %sign3A_5 : vector<384x6xi32>
    %sign3A_7 = arith.extui %sign3A_6 : vector<384x6xi1> to vector<384x6xi32>
    %sign3A_8 = arith.subi %sign3A_3, %sign3A_7 : vector<384x6xi32>
    %sign3A_9 = arith.constant 0 : i32
    %sign3A_10 = arith.cmpi sgt, %jit3A, %sign3A_9 : i32
    %sign3A_11 = arith.extui %sign3A_10 : i1 to i32
    %sign3A_12 = arith.constant 0 : i32
    %sign3A_13 = arith.cmpi slt, %jit3A, %sign3A_12 : i32
    %sign3A_14 = arith.extui %sign3A_13 : i1 to i32
    %sign3A_15 = arith.subi %sign3A_11, %sign3A_14 : i32
    %ne3A = vector.broadcast %sign3A_15 : i32 to vector<384x6xi32>
    %ne3A_16 = arith.cmpi ne, %sign3A_8, %ne3A : vector<384x6xi32>
    %rem3A = vector.broadcast %jit3A : i32 to vector<384x6xi32>
    %rem3A_17 = arith.remsi %iota3A, %rem3A : vector<384x6xi32>
    %ne3A_18 = arith.constant 0 : i32
    %ne3A_19 = vector.broadcast %ne3A_18 : i32 to vector<384x6xi32>
    %ne3A_20 = arith.cmpi ne, %rem3A_17, %ne3A_19 : vector<384x6xi32>
    %and3A = arith.andi %ne3A_16, %ne3A_20 : vector<384x6xi1>
    %sub3A = arith.constant 1 : i32
    %sub3A_21 = vector.broadcast %sub3A : i32 to vector<384x6xi32>
    %sub3A_22 = arith.subi %div3A_0, %sub3A_21 : vector<384x6xi32>
    %select_n3A = arith.select %and3A, %sub3A_22, %div3A_0 : vector<384x6xi1>, vector<384x6xi32>
    %iota3A_23 = tpu.iota {dimensions = array<i32: 1>} : vector<384x6xi32>
    %eq3A = arith.cmpi eq, %select_n3A, %iota3A_23 : vector<384x6xi32>
    %convert_element_type3A = arith.extui %eq3A : vector<384x6xi1> to vector<384x6xi32>
    %convert_element_type3A_24 = arith.sitofp %convert_element_type3A : vector<384x6xi32> to vector<384x6xf32>
    %iota3A_25 = tpu.iota {dimensions = array<i32: 1>} : vector<6x384xi32>
    %jit3A_26 = arith.constant 64 : i32
    %div3A_27 = vector.broadcast %jit3A_26 : i32 to vector<6x384xi32>
    %div3A_28 = arith.divsi %iota3A_25, %div3A_27 : vector<6x384xi32>
    %sign3A_29 = arith.constant 0 : i32
    %sign3A_30 = vector.broadcast %sign3A_29 : i32 to vector<6x384xi32>
    %sign3A_31 = arith.cmpi sgt, %iota3A_25, %sign3A_30 : vector<6x384xi32>
    %sign3A_32 = arith.extui %sign3A_31 : vector<6x384xi1> to vector<6x384xi32>
    %sign3A_33 = arith.constant 0 : i32
    %sign3A_34 = vector.broadcast %sign3A_33 : i32 to vector<6x384xi32>
    %sign3A_35 = arith.cmpi slt, %iota3A_25, %sign3A_34 : vector<6x384xi32>
    %sign3A_36 = arith.extui %sign3A_35 : vector<6x384xi1> to vector<6x384xi32>
    %sign3A_37 = arith.subi %sign3A_32, %sign3A_36 : vector<6x384xi32>
    %sign3A_38 = arith.constant 0 : i32
    %sign3A_39 = arith.cmpi sgt, %jit3A_26, %sign3A_38 : i32
    %sign3A_40 = arith.extui %sign3A_39 : i1 to i32
    %sign3A_41 = arith.constant 0 : i32
    %sign3A_42 = arith.cmpi slt, %jit3A_26, %sign3A_41 : i32
    %sign3A_43 = arith.extui %sign3A_42 : i1 to i32
    %sign3A_44 = arith.subi %sign3A_40, %sign3A_43 : i32
    %ne3A_45 = vector.broadcast %sign3A_44 : i32 to vector<6x384xi32>
    %ne3A_46 = arith.cmpi ne, %sign3A_37, %ne3A_45 : vector<6x384xi32>
    %rem3A_47 = vector.broadcast %jit3A_26 : i32 to vector<6x384xi32>
    %rem3A_48 = arith.remsi %iota3A_25, %rem3A_47 : vector<6x384xi32>
    %ne3A_49 = arith.constant 0 : i32
    %ne3A_50 = vector.broadcast %ne3A_49 : i32 to vector<6x384xi32>
    %ne3A_51 = arith.cmpi ne, %rem3A_48, %ne3A_50 : vector<6x384xi32>
    %and3A_52 = arith.andi %ne3A_46, %ne3A_51 : vector<6x384xi1>
    %sub3A_53 = arith.constant 1 : i32
    %sub3A_54 = vector.broadcast %sub3A_53 : i32 to vector<6x384xi32>
    %sub3A_55 = arith.subi %div3A_28, %sub3A_54 : vector<6x384xi32>
    %select_n3A_56 = arith.select %and3A_52, %sub3A_55, %div3A_28 : vector<6x384xi1>, vector<6x384xi32>
    %iota3A_57 = tpu.iota {dimensions = array<i32: 0>} : vector<6x384xi32>
    %eq3A_58 = arith.cmpi eq, %select_n3A_56, %iota3A_57 : vector<6x384xi32>
    %convert_element_type3A_59 = arith.extui %eq3A_58 : vector<6x384xi1> to vector<6x384xi32>
    %convert_element_type3A_60 = arith.sitofp %convert_element_type3A_59 : vector<6x384xi32> to vector<6x384xf32>
    %get3A = arith.constant 0 : index
    %get3A_61 = arith.constant 0 : index
    %get3A_62 = vector.load %arg1[%get3A, %get3A_61] : memref<256x256xf32, #tpu.memory_space<vmem>>, vector<256x256xf32>
    %reduce_sum3A = arith.constant dense<0.000000e+00> : vector<256xf32>
    %reduce_sum3A_63 = vector.multi_reduction <add>, %get3A_62, %reduce_sum3A [1] : vector<256x256xf32> to vector<256xf32>
    %broadcast_in_dim3A = vector.shape_cast %reduce_sum3A_63 : vector<256xf32> to vector<256x1xf32>
    %div3A_64 = arith.constant 2.560000e+02 : f32
    %div3A_65 = vector.broadcast %div3A_64 : f32 to vector<256x1xf32>
    %div3A_66 = arith.divf %broadcast_in_dim3A, %div3A_65 : vector<256x1xf32>
    %sub3A_67 = vector.broadcast %div3A_66 : vector<256x1xf32> to vector<256x256xf32>
    %sub3A_68 = arith.subf %get3A_62, %sub3A_67 : vector<256x256xf32>
    %mul3A = arith.mulf %sub3A_68, %sub3A_68 : vector<256x256xf32>
    %reduce_sum3A_69 = arith.constant dense<0.000000e+00> : vector<256xf32>
    %reduce_sum3A_70 = vector.multi_reduction <add>, %mul3A, %reduce_sum3A_69 [1] : vector<256x256xf32> to vector<256xf32>
    %broadcast_in_dim3A_71 = vector.shape_cast %reduce_sum3A_70 : vector<256xf32> to vector<256x1xf32>
    %div3A_72 = arith.constant 2.560000e+02 : f32
    %div3A_73 = vector.broadcast %div3A_72 : f32 to vector<256x1xf32>
    %div3A_74 = arith.divf %broadcast_in_dim3A_71, %div3A_73 : vector<256x1xf32>
    %add3A = arith.constant 9.99999974E-6 : f32
    %add3A_75 = vector.broadcast %add3A : f32 to vector<256x1xf32>
    %add3A_76 = arith.addf %div3A_74, %add3A_75 : vector<256x1xf32>
    %sqrt3A = math.sqrt %add3A_76 : vector<256x1xf32>
    %div3A_77 = vector.broadcast %sqrt3A : vector<256x1xf32> to vector<256x256xf32>
    %div3A_78 = arith.divf %sub3A_68, %div3A_77 : vector<256x256xf32>
    %get3A_79 = arith.constant 0 : index
    %get3A_80 = arith.constant 0 : index
    %get3A_81 = vector.load %arg4[%get3A_79, %get3A_80] : memref<1x256xf32, #tpu.memory_space<vmem>>, vector<1x256xf32>
    %mul3A_82 = vector.broadcast %get3A_81 : vector<1x256xf32> to vector<256x256xf32>
    %mul3A_83 = arith.mulf %div3A_78, %mul3A_82 : vector<256x256xf32>
    %get3A_84 = arith.constant 0 : index
    %get3A_85 = arith.constant 0 : index
    %get3A_86 = vector.load %arg5[%get3A_84, %get3A_85] : memref<1x256xf32, #tpu.memory_space<vmem>>, vector<1x256xf32>
    %add3A_87 = vector.broadcast %get3A_86 : vector<1x256xf32> to vector<256x256xf32>
    %add3A_88 = arith.addf %mul3A_83, %add3A_87 : vector<256x256xf32>
    %get3A_89 = arith.constant 0 : index
    %get3A_90 = arith.constant 0 : index
    %get3A_91 = vector.load %arg8[%get3A_89, %get3A_90] : memref<256x384xf32, #tpu.memory_space<vmem>>, vector<256x384xf32>
    %convert_element_type3A_92 = arith.truncf %add3A_88 : vector<256x256xf32> to vector<256x256xbf16>
    %convert_element_type3A_93 = arith.truncf %get3A_91 : vector<256x384xf32> to vector<256x384xbf16>
    %dot_general3A = arith.constant dense<0.000000e+00> : vector<256x384xf32>
    %dot_general3A_94 = tpu.matmul %convert_element_type3A_92, %convert_element_type3A_93, %dot_general3A {dimension_numbers = #tpu.dot_dimension_numbers<[1], [0], [0], [1], [0, 0, 1, 1], [], []>, transpose_lhs_hint = false} : vector<256x256xbf16>, vector<256x384xbf16>, vector<256x384xf32> -> vector<256x384xf32>
    %mul3A_95 = arith.mulf %dot_general3A_94, %dot_general3A_94 : vector<256x384xf32>
    %convert_element_type3A_96 = arith.truncf %mul3A_95 : vector<256x384xf32> to vector<256x384xbf16>
    %convert_element_type3A_97 = arith.truncf %convert_element_type3A_24 : vector<384x6xf32> to vector<384x6xbf16>
    %dot_general3A_98 = arith.constant dense<0.000000e+00> : vector<256x6xf32>
    %dot_general3A_99 = tpu.matmul %convert_element_type3A_96, %convert_element_type3A_97, %dot_general3A_98 {dimension_numbers = #tpu.dot_dimension_numbers<[1], [0], [0], [1], [0, 0, 1, 1], [], []>, transpose_lhs_hint = false} : vector<256x384xbf16>, vector<384x6xbf16>, vector<256x6xf32> -> vector<256x6xf32>
    %add3A_100 = arith.constant 9.99999996E-13 : f32
    %add3A_101 = vector.broadcast %add3A_100 : f32 to vector<256x6xf32>
    %add3A_102 = arith.addf %dot_general3A_99, %add3A_101 : vector<256x6xf32>
    %rsqrt3A = math.rsqrt %add3A_102 : vector<256x6xf32>
    %mul3A_103 = arith.constant 8.000000e+00 : f32
    %mul3A_104 = vector.broadcast %mul3A_103 : f32 to vector<256x6xf32>
    %mul3A_105 = arith.mulf %rsqrt3A, %mul3A_104 : vector<256x6xf32>
    %convert_element_type3A_106 = arith.truncf %mul3A_105 : vector<256x6xf32> to vector<256x6xbf16>
    %convert_element_type3A_107 = arith.truncf %convert_element_type3A_60 : vector<6x384xf32> to vector<6x384xbf16>
    %dot_general3A_108 = arith.constant dense<0.000000e+00> : vector<256x384xf32>
    %dot_general3A_109 = tpu.matmul %convert_element_type3A_106, %convert_element_type3A_107, %dot_general3A_108 {dimension_numbers = #tpu.dot_dimension_numbers<[1], [0], [0], [1], [0, 0, 1, 1], [], []>, transpose_lhs_hint = false} : vector<256x6xbf16>, vector<6x384xbf16>, vector<256x384xf32> -> vector<256x384xf32>
    %mul3A_110 = arith.mulf %dot_general3A_94, %dot_general3A_109 : vector<256x384xf32>
    %get3A_111 = arith.constant 0 : index
    %get3A_112 = arith.constant 0 : index
    %get3A_113 = vector.load %arg6[%get3A_111, %get3A_112] : memref<1x384xf32, #tpu.memory_space<vmem>>, vector<1x384xf32>
    %mul3A_114 = vector.broadcast %get3A_113 : vector<1x384xf32> to vector<256x384xf32>
    %mul3A_115 = arith.mulf %mul3A_110, %mul3A_114 : vector<256x384xf32>
    %get3A_116 = arith.constant 0 : index
    %get3A_117 = arith.constant 0 : index
    %get3A_118 = vector.load %arg3[%get3A_116, %get3A_117] : memref<4096x1xi32, #tpu.memory_space<vmem>>, vector<4096x1xi32>
    %jit3A_119 = arith.constant 4096 : i32
    %eq3A_120 = arith.constant 0 : i32
    %eq3A_121 = arith.cmpi eq, %jit3A_119, %eq3A_120 : i32
    %jit3A_122 = arith.constant 1 : i32
    %select_n3A_123 = arith.select %eq3A_121, %jit3A_122, %jit3A_119 : i32
    %rem3A_124 = vector.broadcast %select_n3A_123 : i32 to vector<4096x1xi32>
    %rem3A_125 = arith.remsi %get3A_118, %rem3A_124 : vector<4096x1xi32>
    %ne3A_126 = arith.constant 0 : i32
    %ne3A_127 = vector.broadcast %ne3A_126 : i32 to vector<4096x1xi32>
    %ne3A_128 = arith.cmpi ne, %rem3A_125, %ne3A_127 : vector<4096x1xi32>
    %lt3A = arith.constant 0 : i32
    %lt3A_129 = vector.broadcast %lt3A : i32 to vector<4096x1xi32>
    %lt3A_130 = arith.cmpi slt, %rem3A_125, %lt3A_129 : vector<4096x1xi32>
    %lt3A_131 = arith.constant 0 : i32
    %lt3A_132 = arith.cmpi slt, %select_n3A_123, %lt3A_131 : i32
    %ne3A_133 = vector.broadcast %lt3A_132 : i1 to vector<4096x1xi1>
    %ne3A_134 = vector.broadcast %ne3A_133 : vector<4096x1xi1> to vector<4096x1xi1>
    %ne3A_135 = arith.xori %lt3A_130, %ne3A_134 : vector<4096x1xi1>
    %and3A_136 = arith.andi %ne3A_135, %ne3A_128 : vector<4096x1xi1>
    %add3A_137 = vector.broadcast %select_n3A_123 : i32 to vector<4096x1xi32>
    %add3A_138 = arith.addi %rem3A_125, %add3A_137 : vector<4096x1xi32>
    %select_n3A_139 = arith.select %and3A_136, %add3A_138, %rem3A_125 : vector<4096x1xi1>, vector<4096x1xi32>
    %iota3A_140 = tpu.iota {dimensions = array<i32: 0>} : vector<4096x1xi32>
    %jit3A_141 = arith.constant 16 : i32
    %eq3A_142 = arith.constant 0 : i32
    %eq3A_143 = arith.cmpi eq, %jit3A_141, %eq3A_142 : i32
    %jit3A_144 = arith.constant 1 : i32
    %select_n3A_145 = arith.select %eq3A_143, %jit3A_144, %jit3A_141 : i32
    %rem3A_146 = arith.remsi %arg0, %select_n3A_145 : i32
    %ne3A_147 = arith.constant 0 : i32
    %ne3A_148 = arith.cmpi ne, %rem3A_146, %ne3A_147 : i32
    %lt3A_149 = arith.constant 0 : i32
    %lt3A_150 = arith.cmpi slt, %rem3A_146, %lt3A_149 : i32
    %lt3A_151 = arith.constant 0 : i32
    %lt3A_152 = arith.cmpi slt, %select_n3A_145, %lt3A_151 : i32
    %ne3A_153 = arith.xori %lt3A_150, %lt3A_152 : i1
    %and3A_154 = arith.andi %ne3A_153, %ne3A_148 : i1
    %add3A_155 = arith.addi %rem3A_146, %select_n3A_145 : i32
    %select_n3A_156 = arith.select %and3A_154, %add3A_155, %rem3A_146 : i32
    %mul3A_157 = arith.constant 256 : i32
    %mul3A_158 = arith.muli %select_n3A_156, %mul3A_157 : i32
    %jit3A_159 = arith.constant 16 : i32
    %div3A_160 = vector.broadcast %jit3A_159 : i32 to vector<4096x1xi32>
    %div3A_161 = arith.divsi %iota3A_140, %div3A_160 : vector<4096x1xi32>
    %sign3A_162 = arith.constant 0 : i32
    %sign3A_163 = vector.broadcast %sign3A_162 : i32 to vector<4096x1xi32>
    %sign3A_164 = arith.cmpi sgt, %iota3A_140, %sign3A_163 : vector<4096x1xi32>
    %sign3A_165 = arith.extui %sign3A_164 : vector<4096x1xi1> to vector<4096x1xi32>
    %sign3A_166 = arith.constant 0 : i32
    %sign3A_167 = vector.broadcast %sign3A_166 : i32 to vector<4096x1xi32>
    %sign3A_168 = arith.cmpi slt, %iota3A_140, %sign3A_167 : vector<4096x1xi32>
    %sign3A_169 = arith.extui %sign3A_168 : vector<4096x1xi1> to vector<4096x1xi32>
    %sign3A_170 = arith.subi %sign3A_165, %sign3A_169 : vector<4096x1xi32>
    %sign3A_171 = arith.constant 0 : i32
    %sign3A_172 = arith.cmpi sgt, %jit3A_159, %sign3A_171 : i32
    %sign3A_173 = arith.extui %sign3A_172 : i1 to i32
    %sign3A_174 = arith.constant 0 : i32
    %sign3A_175 = arith.cmpi slt, %jit3A_159, %sign3A_174 : i32
    %sign3A_176 = arith.extui %sign3A_175 : i1 to i32
    %sign3A_177 = arith.subi %sign3A_173, %sign3A_176 : i32
    %ne3A_178 = vector.broadcast %sign3A_177 : i32 to vector<4096x1xi32>
    %ne3A_179 = arith.cmpi ne, %sign3A_170, %ne3A_178 : vector<4096x1xi32>
    %rem3A_180 = vector.broadcast %jit3A_159 : i32 to vector<4096x1xi32>
    %rem3A_181 = arith.remsi %iota3A_140, %rem3A_180 : vector<4096x1xi32>
    %ne3A_182 = arith.constant 0 : i32
    %ne3A_183 = vector.broadcast %ne3A_182 : i32 to vector<4096x1xi32>
    %ne3A_184 = arith.cmpi ne, %rem3A_181, %ne3A_183 : vector<4096x1xi32>
    %and3A_185 = arith.andi %ne3A_179, %ne3A_184 : vector<4096x1xi1>
    %sub3A_186 = arith.constant 1 : i32
    %sub3A_187 = vector.broadcast %sub3A_186 : i32 to vector<4096x1xi32>
    %sub3A_188 = arith.subi %div3A_161, %sub3A_187 : vector<4096x1xi32>
    %select_n3A_189 = arith.select %and3A_185, %sub3A_188, %div3A_161 : vector<4096x1xi1>, vector<4096x1xi32>
    %add3A_190 = vector.broadcast %mul3A_158 : i32 to vector<4096x1xi32>
    %add3A_191 = arith.addi %add3A_190, %select_n3A_189 : vector<4096x1xi32>
    %jit3A_192 = arith.constant 64 : i32
    %eq3A_193 = arith.constant 0 : i32
    %eq3A_194 = arith.cmpi eq, %jit3A_192, %eq3A_193 : i32
    %jit3A_195 = arith.constant 1 : i32
    %select_n3A_196 = arith.select %eq3A_194, %jit3A_195, %jit3A_192 : i32
    %rem3A_197 = vector.broadcast %select_n3A_196 : i32 to vector<4096x1xi32>
    %rem3A_198 = arith.remsi %select_n3A_139, %rem3A_197 : vector<4096x1xi32>
    %ne3A_199 = arith.constant 0 : i32
    %ne3A_200 = vector.broadcast %ne3A_199 : i32 to vector<4096x1xi32>
    %ne3A_201 = arith.cmpi ne, %rem3A_198, %ne3A_200 : vector<4096x1xi32>
    %lt3A_202 = arith.constant 0 : i32
    %lt3A_203 = vector.broadcast %lt3A_202 : i32 to vector<4096x1xi32>
    %lt3A_204 = arith.cmpi slt, %rem3A_198, %lt3A_203 : vector<4096x1xi32>
    %lt3A_205 = arith.constant 0 : i32
    %lt3A_206 = arith.cmpi slt, %select_n3A_196, %lt3A_205 : i32
    %ne3A_207 = vector.broadcast %lt3A_206 : i1 to vector<4096x1xi1>
    %ne3A_208 = vector.broadcast %ne3A_207 : vector<4096x1xi1> to vector<4096x1xi1>
    %ne3A_209 = arith.xori %lt3A_204, %ne3A_208 : vector<4096x1xi1>
    %and3A_210 = arith.andi %ne3A_209, %ne3A_201 : vector<4096x1xi1>
    %add3A_211 = vector.broadcast %select_n3A_196 : i32 to vector<4096x1xi32>
    %add3A_212 = arith.addi %rem3A_198, %add3A_211 : vector<4096x1xi32>
    %select_n3A_213 = arith.select %and3A_210, %add3A_212, %rem3A_198 : vector<4096x1xi1>, vector<4096x1xi32>
    %convert_element_type3A_214 = arith.sitofp %select_n3A_213 : vector<4096x1xi32> to vector<4096x1xf32>
    %div3A_215 = arith.constant 6.300000e+01 : f32
    %div3A_216 = vector.broadcast %div3A_215 : f32 to vector<4096x1xf32>
    %div3A_217 = arith.divf %convert_element_type3A_214, %div3A_216 : vector<4096x1xf32>
    %jit3A_218 = arith.constant 64 : i32
    %div3A_219 = vector.broadcast %jit3A_218 : i32 to vector<4096x1xi32>
    %div3A_220 = arith.divsi %select_n3A_139, %div3A_219 : vector<4096x1xi32>
    %sign3A_221 = arith.constant 0 : i32
    %sign3A_222 = vector.broadcast %sign3A_221 : i32 to vector<4096x1xi32>
    %sign3A_223 = arith.cmpi sgt, %select_n3A_139, %sign3A_222 : vector<4096x1xi32>
    %sign3A_224 = arith.extui %sign3A_223 : vector<4096x1xi1> to vector<4096x1xi32>
    %sign3A_225 = arith.constant 0 : i32
    %sign3A_226 = vector.broadcast %sign3A_225 : i32 to vector<4096x1xi32>
    %sign3A_227 = arith.cmpi slt, %select_n3A_139, %sign3A_226 : vector<4096x1xi32>
    %sign3A_228 = arith.extui %sign3A_227 : vector<4096x1xi1> to vector<4096x1xi32>
    %sign3A_229 = arith.subi %sign3A_224, %sign3A_228 : vector<4096x1xi32>
    %sign3A_230 = arith.constant 0 : i32
    %sign3A_231 = arith.cmpi sgt, %jit3A_218, %sign3A_230 : i32
    %sign3A_232 = arith.extui %sign3A_231 : i1 to i32
    %sign3A_233 = arith.constant 0 : i32
    %sign3A_234 = arith.cmpi slt, %jit3A_218, %sign3A_233 : i32
    %sign3A_235 = arith.extui %sign3A_234 : i1 to i32
    %sign3A_236 = arith.subi %sign3A_232, %sign3A_235 : i32
    %ne3A_237 = vector.broadcast %sign3A_236 : i32 to vector<4096x1xi32>
    %ne3A_238 = arith.cmpi ne, %sign3A_229, %ne3A_237 : vector<4096x1xi32>
    %rem3A_239 = vector.broadcast %jit3A_218 : i32 to vector<4096x1xi32>
    %rem3A_240 = arith.remsi %select_n3A_139, %rem3A_239 : vector<4096x1xi32>
    %ne3A_241 = arith.constant 0 : i32
    %ne3A_242 = vector.broadcast %ne3A_241 : i32 to vector<4096x1xi32>
    %ne3A_243 = arith.cmpi ne, %rem3A_240, %ne3A_242 : vector<4096x1xi32>
    %and3A_244 = arith.andi %ne3A_238, %ne3A_243 : vector<4096x1xi1>
    %sub3A_245 = arith.constant 1 : i32
    %sub3A_246 = vector.broadcast %sub3A_245 : i32 to vector<4096x1xi32>
    %sub3A_247 = arith.subi %div3A_220, %sub3A_246 : vector<4096x1xi32>
    %select_n3A_248 = arith.select %and3A_244, %sub3A_247, %div3A_220 : vector<4096x1xi1>, vector<4096x1xi32>
    %convert_element_type3A_249 = arith.sitofp %select_n3A_248 : vector<4096x1xi32> to vector<4096x1xf32>
    %div3A_250 = arith.constant 6.300000e+01 : f32
    %div3A_251 = vector.broadcast %div3A_250 : f32 to vector<4096x1xf32>
    %div3A_252 = arith.divf %convert_element_type3A_249, %div3A_251 : vector<4096x1xf32>
    %jit3A_253 = arith.constant 64 : i32
    %eq3A_254 = arith.constant 0 : i32
    %eq3A_255 = arith.cmpi eq, %jit3A_253, %eq3A_254 : i32
    %jit3A_256 = arith.constant 1 : i32
    %select_n3A_257 = arith.select %eq3A_255, %jit3A_256, %jit3A_253 : i32
    %rem3A_258 = vector.broadcast %select_n3A_257 : i32 to vector<4096x1xi32>
    %rem3A_259 = arith.remsi %add3A_191, %rem3A_258 : vector<4096x1xi32>
    %ne3A_260 = arith.constant 0 : i32
    %ne3A_261 = vector.broadcast %ne3A_260 : i32 to vector<4096x1xi32>
    %ne3A_262 = arith.cmpi ne, %rem3A_259, %ne3A_261 : vector<4096x1xi32>
    %lt3A_263 = arith.constant 0 : i32
    %lt3A_264 = vector.broadcast %lt3A_263 : i32 to vector<4096x1xi32>
    %lt3A_265 = arith.cmpi slt, %rem3A_259, %lt3A_264 : vector<4096x1xi32>
    %lt3A_266 = arith.constant 0 : i32
    %lt3A_267 = arith.cmpi slt, %select_n3A_257, %lt3A_266 : i32
    %ne3A_268 = vector.broadcast %lt3A_267 : i1 to vector<4096x1xi1>
    %ne3A_269 = vector.broadcast %ne3A_268 : vector<4096x1xi1> to vector<4096x1xi1>
    %ne3A_270 = arith.xori %lt3A_265, %ne3A_269 : vector<4096x1xi1>
    %and3A_271 = arith.andi %ne3A_270, %ne3A_262 : vector<4096x1xi1>
    %add3A_272 = vector.broadcast %select_n3A_257 : i32 to vector<4096x1xi32>
    %add3A_273 = arith.addi %rem3A_259, %add3A_272 : vector<4096x1xi32>
    %select_n3A_274 = arith.select %and3A_271, %add3A_273, %rem3A_259 : vector<4096x1xi1>, vector<4096x1xi32>
    %convert_element_type3A_275 = arith.sitofp %select_n3A_274 : vector<4096x1xi32> to vector<4096x1xf32>
    %div3A_276 = arith.constant 6.300000e+01 : f32
    %div3A_277 = vector.broadcast %div3A_276 : f32 to vector<4096x1xf32>
    %div3A_278 = arith.divf %convert_element_type3A_275, %div3A_277 : vector<4096x1xf32>
    %jit3A_279 = arith.constant 64 : i32
    %div3A_280 = vector.broadcast %jit3A_279 : i32 to vector<4096x1xi32>
    %div3A_281 = arith.divsi %add3A_191, %div3A_280 : vector<4096x1xi32>
    %sign3A_282 = arith.constant 0 : i32
    %sign3A_283 = vector.broadcast %sign3A_282 : i32 to vector<4096x1xi32>
    %sign3A_284 = arith.cmpi sgt, %add3A_191, %sign3A_283 : vector<4096x1xi32>
    %sign3A_285 = arith.extui %sign3A_284 : vector<4096x1xi1> to vector<4096x1xi32>
    %sign3A_286 = arith.constant 0 : i32
    %sign3A_287 = vector.broadcast %sign3A_286 : i32 to vector<4096x1xi32>
    %sign3A_288 = arith.cmpi slt, %add3A_191, %sign3A_287 : vector<4096x1xi32>
    %sign3A_289 = arith.extui %sign3A_288 : vector<4096x1xi1> to vector<4096x1xi32>
    %sign3A_290 = arith.subi %sign3A_285, %sign3A_289 : vector<4096x1xi32>
    %sign3A_291 = arith.constant 0 : i32
    %sign3A_292 = arith.cmpi sgt, %jit3A_279, %sign3A_291 : i32
    %sign3A_293 = arith.extui %sign3A_292 : i1 to i32
    %sign3A_294 = arith.constant 0 : i32
    %sign3A_295 = arith.cmpi slt, %jit3A_279, %sign3A_294 : i32
    %sign3A_296 = arith.extui %sign3A_295 : i1 to i32
    %sign3A_297 = arith.subi %sign3A_293, %sign3A_296 : i32
    %ne3A_298 = vector.broadcast %sign3A_297 : i32 to vector<4096x1xi32>
    %ne3A_299 = arith.cmpi ne, %sign3A_290, %ne3A_298 : vector<4096x1xi32>
    %rem3A_300 = vector.broadcast %jit3A_279 : i32 to vector<4096x1xi32>
    %rem3A_301 = arith.remsi %add3A_191, %rem3A_300 : vector<4096x1xi32>
    %ne3A_302 = arith.constant 0 : i32
    %ne3A_303 = vector.broadcast %ne3A_302 : i32 to vector<4096x1xi32>
    %ne3A_304 = arith.cmpi ne, %rem3A_301, %ne3A_303 : vector<4096x1xi32>
    %and3A_305 = arith.andi %ne3A_299, %ne3A_304 : vector<4096x1xi1>
    %sub3A_306 = arith.constant 1 : i32
    %sub3A_307 = vector.broadcast %sub3A_306 : i32 to vector<4096x1xi32>
    %sub3A_308 = arith.subi %div3A_281, %sub3A_307 : vector<4096x1xi32>
    %select_n3A_309 = arith.select %and3A_305, %sub3A_308, %div3A_281 : vector<4096x1xi1>, vector<4096x1xi32>
    %convert_element_type3A_310 = arith.sitofp %select_n3A_309 : vector<4096x1xi32> to vector<4096x1xf32>
    %div3A_311 = arith.constant 6.300000e+01 : f32
    %div3A_312 = vector.broadcast %div3A_311 : f32 to vector<4096x1xf32>
    %div3A_313 = arith.divf %convert_element_type3A_310, %div3A_312 : vector<4096x1xf32>
    %sub3A_314 = arith.subf %div3A_217, %div3A_278 : vector<4096x1xf32>
    %sub3A_315 = arith.subf %div3A_252, %div3A_313 : vector<4096x1xf32>
    %mul3A_316 = arith.mulf %sub3A_314, %sub3A_314 : vector<4096x1xf32>
    %mul3A_317 = arith.mulf %sub3A_315, %sub3A_315 : vector<4096x1xf32>
    %add3A_318 = arith.addf %mul3A_316, %mul3A_317 : vector<4096x1xf32>
    %sqrt3A_319 = math.sqrt %add3A_318 : vector<4096x1xf32>
    %le3A = arith.constant 1.000000e-01 : f32
    %le3A_320 = vector.broadcast %le3A : f32 to vector<4096x1xf32>
    %le3A_321 = arith.cmpf ole, %sqrt3A_319, %le3A_320 : vector<4096x1xf32>
    %iota3A_322 = tpu.iota {dimensions = array<i32: 1>} : vector<1x8xi32>
    %shift_left3A = arith.constant 1 : i32
    %shift_left3A_323 = vector.broadcast %shift_left3A : i32 to vector<1x8xi32>
    %shift_left3A_324 = arith.shli %shift_left3A_323, %iota3A_322 : vector<1x8xi32>
    %convert_element_type3A_325 = arith.sitofp %shift_left3A_324 : vector<1x8xi32> to vector<1x8xf32>
    %iota3A_326 = tpu.iota {dimensions = array<i32: 0>} : vector<128x1xi32>
    %sub3A_327 = arith.constant 63 : i32
    %sub3A_328 = vector.broadcast %sub3A_327 : i32 to vector<128x1xi32>
    %sub3A_329 = arith.subi %iota3A_326, %sub3A_328 : vector<128x1xi32>
    %convert_element_type3A_330 = arith.sitofp %sub3A_329 : vector<128x1xi32> to vector<128x1xf32>
    %div3A_331 = arith.constant 6.300000e+01 : f32
    %div3A_332 = vector.broadcast %div3A_331 : f32 to vector<128x1xf32>
    %div3A_333 = arith.divf %convert_element_type3A_330, %div3A_332 : vector<128x1xf32>
    %mul3A_334 = vector.broadcast %div3A_333 : vector<128x1xf32> to vector<128x8xf32>
    %mul3A_335 = vector.broadcast %convert_element_type3A_325 : vector<1x8xf32> to vector<128x8xf32>
    %mul3A_336 = arith.mulf %mul3A_334, %mul3A_335 : vector<128x8xf32>
    %sin3A = math.sin %mul3A_336 : vector<128x8xf32>
    %cos3A = math.cos %mul3A_336 : vector<128x8xf32>
    %concatenate3A = tpu.concatenate %sin3A, %cos3A, %div3A_333 in 1 : vector<128x8xf32>, vector<128x8xf32>, vector<128x1xf32> -> vector<128x17xf32>
    %get3A_337 = arith.constant 0 : index
    %get3A_338 = arith.constant 0 : index
    %get3A_339 = vector.load %arg10[%get3A_337, %get3A_338] : memref<17x768xf32, #tpu.memory_space<vmem>>, vector<17x768xf32>
    %dot_general3A_340 = arith.constant dense<0.000000e+00> : vector<128x768xf32>
    %dot_general3A_341 = tpu.matmul %concatenate3A, %get3A_339, %dot_general3A_340 {dimension_numbers = #tpu.dot_dimension_numbers<[1], [0], [0], [1], [0, 0, 1, 1], [], []>, transpose_lhs_hint = false} : vector<128x17xf32>, vector<17x768xf32>, vector<128x768xf32> -> vector<128x768xf32>
    %get3A_342 = arith.constant 0 : index
    %get3A_343 = arith.constant 0 : index
    %get3A_344 = vector.load %arg11[%get3A_342, %get3A_343] : memref<17x768xf32, #tpu.memory_space<vmem>>, vector<17x768xf32>
    %dot_general3A_345 = arith.constant dense<0.000000e+00> : vector<128x768xf32>
    %dot_general3A_346 = tpu.matmul %concatenate3A, %get3A_344, %dot_general3A_345 {dimension_numbers = #tpu.dot_dimension_numbers<[1], [0], [0], [1], [0, 0, 1, 1], [], []>, transpose_lhs_hint = false} : vector<128x17xf32>, vector<17x768xf32>, vector<128x768xf32> -> vector<128x768xf32>
    %concatenate3A_347 = tpu.concatenate %dot_general3A_341, %dot_general3A_346 in 0 : vector<128x768xf32>, vector<128x768xf32> -> vector<256x768xf32>
    %jit3A_348 = arith.constant 64 : i32
    %eq3A_349 = arith.constant 0 : i32
    %eq3A_350 = arith.cmpi eq, %jit3A_348, %eq3A_349 : i32
    %jit3A_351 = arith.constant 1 : i32
    %select_n3A_352 = arith.select %eq3A_350, %jit3A_351, %jit3A_348 : i32
    %rem3A_353 = vector.broadcast %select_n3A_352 : i32 to vector<4096x1xi32>
    %rem3A_354 = arith.remsi %select_n3A_139, %rem3A_353 : vector<4096x1xi32>
    %ne3A_355 = arith.constant 0 : i32
    %ne3A_356 = vector.broadcast %ne3A_355 : i32 to vector<4096x1xi32>
    %ne3A_357 = arith.cmpi ne, %rem3A_354, %ne3A_356 : vector<4096x1xi32>
    %lt3A_358 = arith.constant 0 : i32
    %lt3A_359 = vector.broadcast %lt3A_358 : i32 to vector<4096x1xi32>
    %lt3A_360 = arith.cmpi slt, %rem3A_354, %lt3A_359 : vector<4096x1xi32>
    %lt3A_361 = arith.constant 0 : i32
    %lt3A_362 = arith.cmpi slt, %select_n3A_352, %lt3A_361 : i32
    %ne3A_363 = vector.broadcast %lt3A_362 : i1 to vector<4096x1xi1>
    %ne3A_364 = vector.broadcast %ne3A_363 : vector<4096x1xi1> to vector<4096x1xi1>
    %ne3A_365 = arith.xori %lt3A_360, %ne3A_364 : vector<4096x1xi1>
    %and3A_366 = arith.andi %ne3A_365, %ne3A_357 : vector<4096x1xi1>
    %add3A_367 = vector.broadcast %select_n3A_352 : i32 to vector<4096x1xi32>
    %add3A_368 = arith.addi %rem3A_354, %add3A_367 : vector<4096x1xi32>
    %select_n3A_369 = arith.select %and3A_366, %add3A_368, %rem3A_354 : vector<4096x1xi1>, vector<4096x1xi32>
    %jit3A_370 = arith.constant 64 : i32
    %eq3A_371 = arith.constant 0 : i32
    %eq3A_372 = arith.cmpi eq, %jit3A_370, %eq3A_371 : i32
    %jit3A_373 = arith.constant 1 : i32
    %select_n3A_374 = arith.select %eq3A_372, %jit3A_373, %jit3A_370 : i32
    %rem3A_375 = vector.broadcast %select_n3A_374 : i32 to vector<4096x1xi32>
    %rem3A_376 = arith.remsi %add3A_191, %rem3A_375 : vector<4096x1xi32>
    %ne3A_377 = arith.constant 0 : i32
    %ne3A_378 = vector.broadcast %ne3A_377 : i32 to vector<4096x1xi32>
    %ne3A_379 = arith.cmpi ne, %rem3A_376, %ne3A_378 : vector<4096x1xi32>
    %lt3A_380 = arith.constant 0 : i32
    %lt3A_381 = vector.broadcast %lt3A_380 : i32 to vector<4096x1xi32>
    %lt3A_382 = arith.cmpi slt, %rem3A_376, %lt3A_381 : vector<4096x1xi32>
    %lt3A_383 = arith.constant 0 : i32
    %lt3A_384 = arith.cmpi slt, %select_n3A_374, %lt3A_383 : i32
    %ne3A_385 = vector.broadcast %lt3A_384 : i1 to vector<4096x1xi1>
    %ne3A_386 = vector.broadcast %ne3A_385 : vector<4096x1xi1> to vector<4096x1xi1>
    %ne3A_387 = arith.xori %lt3A_382, %ne3A_386 : vector<4096x1xi1>
    %and3A_388 = arith.andi %ne3A_387, %ne3A_379 : vector<4096x1xi1>
    %add3A_389 = vector.broadcast %select_n3A_374 : i32 to vector<4096x1xi32>
    %add3A_390 = arith.addi %rem3A_376, %add3A_389 : vector<4096x1xi32>
    %select_n3A_391 = arith.select %and3A_388, %add3A_390, %rem3A_376 : vector<4096x1xi1>, vector<4096x1xi32>
    %sub3A_392 = arith.subi %select_n3A_369, %select_n3A_391 : vector<4096x1xi32>
    %add3A_393 = arith.constant 63 : i32
    %add3A_394 = vector.broadcast %add3A_393 : i32 to vector<4096x1xi32>
    %add3A_395 = arith.addi %sub3A_392, %add3A_394 : vector<4096x1xi32>
    %jit3A_396 = arith.constant 64 : i32
    %div3A_397 = vector.broadcast %jit3A_396 : i32 to vector<4096x1xi32>
    %div3A_398 = arith.divsi %select_n3A_139, %div3A_397 : vector<4096x1xi32>
    %sign3A_399 = arith.constant 0 : i32
    %sign3A_400 = vector.broadcast %sign3A_399 : i32 to vector<4096x1xi32>
    %sign3A_401 = arith.cmpi sgt, %select_n3A_139, %sign3A_400 : vector<4096x1xi32>
    %sign3A_402 = arith.extui %sign3A_401 : vector<4096x1xi1> to vector<4096x1xi32>
    %sign3A_403 = arith.constant 0 : i32
    %sign3A_404 = vector.broadcast %sign3A_403 : i32 to vector<4096x1xi32>
    %sign3A_405 = arith.cmpi slt, %select_n3A_139, %sign3A_404 : vector<4096x1xi32>
    %sign3A_406 = arith.extui %sign3A_405 : vector<4096x1xi1> to vector<4096x1xi32>
    %sign3A_407 = arith.subi %sign3A_402, %sign3A_406 : vector<4096x1xi32>
    %sign3A_408 = arith.constant 0 : i32
    %sign3A_409 = arith.cmpi sgt, %jit3A_396, %sign3A_408 : i32
    %sign3A_410 = arith.extui %sign3A_409 : i1 to i32
    %sign3A_411 = arith.constant 0 : i32
    %sign3A_412 = arith.cmpi slt, %jit3A_396, %sign3A_411 : i32
    %sign3A_413 = arith.extui %sign3A_412 : i1 to i32
    %sign3A_414 = arith.subi %sign3A_410, %sign3A_413 : i32
    %ne3A_415 = vector.broadcast %sign3A_414 : i32 to vector<4096x1xi32>
    %ne3A_416 = arith.cmpi ne, %sign3A_407, %ne3A_415 : vector<4096x1xi32>
    %rem3A_417 = vector.broadcast %jit3A_396 : i32 to vector<4096x1xi32>
    %rem3A_418 = arith.remsi %select_n3A_139, %rem3A_417 : vector<4096x1xi32>
    %ne3A_419 = arith.constant 0 : i32
    %ne3A_420 = vector.broadcast %ne3A_419 : i32 to vector<4096x1xi32>
    %ne3A_421 = arith.cmpi ne, %rem3A_418, %ne3A_420 : vector<4096x1xi32>
    %and3A_422 = arith.andi %ne3A_416, %ne3A_421 : vector<4096x1xi1>
    %sub3A_423 = arith.constant 1 : i32
    %sub3A_424 = vector.broadcast %sub3A_423 : i32 to vector<4096x1xi32>
    %sub3A_425 = arith.subi %div3A_398, %sub3A_424 : vector<4096x1xi32>
    %select_n3A_426 = arith.select %and3A_422, %sub3A_425, %div3A_398 : vector<4096x1xi1>, vector<4096x1xi32>
    %jit3A_427 = arith.constant 64 : i32
    %div3A_428 = vector.broadcast %jit3A_427 : i32 to vector<4096x1xi32>
    %div3A_429 = arith.divsi %add3A_191, %div3A_428 : vector<4096x1xi32>
    %sign3A_430 = arith.constant 0 : i32
    %sign3A_431 = vector.broadcast %sign3A_430 : i32 to vector<4096x1xi32>
    %sign3A_432 = arith.cmpi sgt, %add3A_191, %sign3A_431 : vector<4096x1xi32>
    %sign3A_433 = arith.extui %sign3A_432 : vector<4096x1xi1> to vector<4096x1xi32>
    %sign3A_434 = arith.constant 0 : i32
    %sign3A_435 = vector.broadcast %sign3A_434 : i32 to vector<4096x1xi32>
    %sign3A_436 = arith.cmpi slt, %add3A_191, %sign3A_435 : vector<4096x1xi32>
    %sign3A_437 = arith.extui %sign3A_436 : vector<4096x1xi1> to vector<4096x1xi32>
    %sign3A_438 = arith.subi %sign3A_433, %sign3A_437 : vector<4096x1xi32>
    %sign3A_439 = arith.constant 0 : i32
    %sign3A_440 = arith.cmpi sgt, %jit3A_427, %sign3A_439 : i32
    %sign3A_441 = arith.extui %sign3A_440 : i1 to i32
    %sign3A_442 = arith.constant 0 : i32
    %sign3A_443 = arith.cmpi slt, %jit3A_427, %sign3A_442 : i32
    %sign3A_444 = arith.extui %sign3A_443 : i1 to i32
    %sign3A_445 = arith.subi %sign3A_441, %sign3A_444 : i32
    %ne3A_446 = vector.broadcast %sign3A_445 : i32 to vector<4096x1xi32>
    %ne3A_447 = arith.cmpi ne, %sign3A_438, %ne3A_446 : vector<4096x1xi32>
    %rem3A_448 = vector.broadcast %jit3A_427 : i32 to vector<4096x1xi32>
    %rem3A_449 = arith.remsi %add3A_191, %rem3A_448 : vector<4096x1xi32>
    %ne3A_450 = arith.constant 0 : i32
    %ne3A_451 = vector.broadcast %ne3A_450 : i32 to vector<4096x1xi32>
    %ne3A_452 = arith.cmpi ne, %rem3A_449, %ne3A_451 : vector<4096x1xi32>
    %and3A_453 = arith.andi %ne3A_447, %ne3A_452 : vector<4096x1xi1>
    %sub3A_454 = arith.constant 1 : i32
    %sub3A_455 = vector.broadcast %sub3A_454 : i32 to vector<4096x1xi32>
    %sub3A_456 = arith.subi %div3A_429, %sub3A_455 : vector<4096x1xi32>
    %select_n3A_457 = arith.select %and3A_453, %sub3A_456, %div3A_429 : vector<4096x1xi1>, vector<4096x1xi32>
    %sub3A_458 = arith.subi %select_n3A_426, %select_n3A_457 : vector<4096x1xi32>
    %add3A_459 = arith.constant 63 : i32
    %add3A_460 = vector.broadcast %add3A_459 : i32 to vector<4096x1xi32>
    %add3A_461 = arith.addi %sub3A_458, %add3A_460 : vector<4096x1xi32>
    %iota3A_462 = tpu.iota {dimensions = array<i32: 1>} : vector<4096x128xi32>
    %eq3A_463 = vector.broadcast %add3A_395 : vector<4096x1xi32> to vector<4096x128xi32>
    %eq3A_464 = arith.cmpi eq, %eq3A_463, %iota3A_462 : vector<4096x128xi32>
    %convert_element_type3A_465 = arith.extui %eq3A_464 : vector<4096x128xi1> to vector<4096x128xi32>
    %convert_element_type3A_466 = arith.sitofp %convert_element_type3A_465 : vector<4096x128xi32> to vector<4096x128xf32>
    %eq3A_467 = vector.broadcast %add3A_461 : vector<4096x1xi32> to vector<4096x128xi32>
    %eq3A_468 = arith.cmpi eq, %eq3A_467, %iota3A_462 : vector<4096x128xi32>
    %convert_element_type3A_469 = arith.extui %eq3A_468 : vector<4096x128xi1> to vector<4096x128xi32>
    %convert_element_type3A_470 = arith.sitofp %convert_element_type3A_469 : vector<4096x128xi32> to vector<4096x128xf32>
    %concatenate3A_471 = tpu.concatenate %convert_element_type3A_466, %convert_element_type3A_470 in 1 : vector<4096x128xf32>, vector<4096x128xf32> -> vector<4096x256xf32>
    %get3A_472 = arith.constant 0 : index
    %get3A_473 = arith.constant 0 : index
    %get3A_474 = vector.load %arg2[%get3A_472, %get3A_473] : memref<4096x128xf32, #tpu.memory_space<vmem>>, vector<4096x128xf32>
    %get3A_475 = arith.constant 0 : index
    %get3A_476 = arith.constant 0 : index
    %get3A_477 = vector.load %arg9[%get3A_475, %get3A_476] : memref<128x768xf32, #tpu.memory_space<vmem>>, vector<128x768xf32>
    %convert_element_type3A_478 = arith.truncf %get3A_474 : vector<4096x128xf32> to vector<4096x128xbf16>
    %convert_element_type3A_479 = arith.truncf %get3A_477 : vector<128x768xf32> to vector<128x768xbf16>
    %dot_general3A_480 = arith.constant dense<0.000000e+00> : vector<4096x768xf32>
    %dot_general3A_481 = tpu.matmul %convert_element_type3A_478, %convert_element_type3A_479, %dot_general3A_480 {dimension_numbers = #tpu.dot_dimension_numbers<[1], [0], [0], [1], [0, 0, 1, 1], [], []>, transpose_lhs_hint = false} : vector<4096x128xbf16>, vector<128x768xbf16>, vector<4096x768xf32> -> vector<4096x768xf32>
    %convert_element_type3A_482 = arith.truncf %concatenate3A_471 : vector<4096x256xf32> to vector<4096x256xbf16>
    %convert_element_type3A_483 = arith.truncf %concatenate3A_347 : vector<256x768xf32> to vector<256x768xbf16>
    %dot_general3A_484 = arith.constant dense<0.000000e+00> : vector<4096x768xf32>
    %dot_general3A_485 = tpu.matmul %convert_element_type3A_482, %convert_element_type3A_483, %dot_general3A_484 {dimension_numbers = #tpu.dot_dimension_numbers<[1], [0], [0], [1], [0, 0, 1, 1], [], []>, transpose_lhs_hint = false} : vector<4096x256xbf16>, vector<256x768xbf16>, vector<4096x768xf32> -> vector<4096x768xf32>
    %add3A_486 = arith.addf %dot_general3A_481, %dot_general3A_485 : vector<4096x768xf32>
    %slice3A = vector.extract_strided_slice %add3A_486 {offsets = [0, 0], sizes = [4096, 384], strides = [1, 1]} : vector<4096x768xf32> to vector<4096x384xf32>
    %slice3A_487 = vector.extract_strided_slice %add3A_486 {offsets = [0, 384], sizes = [4096, 384], strides = [1, 1]} : vector<4096x768xf32> to vector<4096x384xf32>
    %mul3A_488 = arith.mulf %slice3A, %slice3A : vector<4096x384xf32>
    %convert_element_type3A_489 = arith.truncf %mul3A_488 : vector<4096x384xf32> to vector<4096x384xbf16>
    %convert_element_type3A_490 = arith.truncf %convert_element_type3A_24 : vector<384x6xf32> to vector<384x6xbf16>
    %dot_general3A_491 = arith.constant dense<0.000000e+00> : vector<4096x6xf32>
    %dot_general3A_492 = tpu.matmul %convert_element_type3A_489, %convert_element_type3A_490, %dot_general3A_491 {dimension_numbers = #tpu.dot_dimension_numbers<[1], [0], [0], [1], [0, 0, 1, 1], [], []>, transpose_lhs_hint = false} : vector<4096x384xbf16>, vector<384x6xbf16>, vector<4096x6xf32> -> vector<4096x6xf32>
    %add3A_493 = arith.constant 9.99999996E-13 : f32
    %add3A_494 = vector.broadcast %add3A_493 : f32 to vector<4096x6xf32>
    %add3A_495 = arith.addf %dot_general3A_492, %add3A_494 : vector<4096x6xf32>
    %rsqrt3A_496 = math.rsqrt %add3A_495 : vector<4096x6xf32>
    %mul3A_497 = arith.constant 8.000000e+00 : f32
    %mul3A_498 = vector.broadcast %mul3A_497 : f32 to vector<4096x6xf32>
    %mul3A_499 = arith.mulf %rsqrt3A_496, %mul3A_498 : vector<4096x6xf32>
    %convert_element_type3A_500 = arith.truncf %mul3A_499 : vector<4096x6xf32> to vector<4096x6xbf16>
    %convert_element_type3A_501 = arith.truncf %convert_element_type3A_60 : vector<6x384xf32> to vector<6x384xbf16>
    %dot_general3A_502 = arith.constant dense<0.000000e+00> : vector<4096x384xf32>
    %dot_general3A_503 = tpu.matmul %convert_element_type3A_500, %convert_element_type3A_501, %dot_general3A_502 {dimension_numbers = #tpu.dot_dimension_numbers<[1], [0], [0], [1], [0, 0, 1, 1], [], []>, transpose_lhs_hint = false} : vector<4096x6xbf16>, vector<6x384xbf16>, vector<4096x384xf32> -> vector<4096x384xf32>
    %mul3A_504 = arith.mulf %slice3A, %dot_general3A_503 : vector<4096x384xf32>
    %get3A_505 = arith.constant 0 : index
    %get3A_506 = arith.constant 0 : index
    %get3A_507 = vector.load %arg7[%get3A_505, %get3A_506] : memref<1x384xf32, #tpu.memory_space<vmem>>, vector<1x384xf32>
    %mul3A_508 = vector.broadcast %get3A_507 : vector<1x384xf32> to vector<4096x384xf32>
    %mul3A_509 = arith.mulf %mul3A_504, %mul3A_508 : vector<4096x384xf32>
    %broadcast_in_dim3A_510 = vector.shape_cast %mul3A_115 : vector<256x384xf32> to vector<256x1x384xf32>
    %broadcast_in_dim3A_511 = vector.shape_cast %broadcast_in_dim3A_510 : vector<256x1x384xf32> to vector<256x1x384xf32>
    %broadcast_in_dim3A_512 = vector.broadcast %broadcast_in_dim3A_511 : vector<256x1x384xf32> to vector<256x16x384xf32>
    %reshape3A = vector.shape_cast %broadcast_in_dim3A_512 : vector<256x16x384xf32> to vector<4096x384xf32>
    %mul3A_513 = arith.mulf %reshape3A, %mul3A_509 : vector<4096x384xf32>
    %convert_element_type3A_514 = arith.truncf %mul3A_513 : vector<4096x384xf32> to vector<4096x384xbf16>
    %convert_element_type3A_515 = arith.truncf %convert_element_type3A_24 : vector<384x6xf32> to vector<384x6xbf16>
    %dot_general3A_516 = arith.constant dense<0.000000e+00> : vector<4096x6xf32>
    %dot_general3A_517 = tpu.matmul %convert_element_type3A_514, %convert_element_type3A_515, %dot_general3A_516 {dimension_numbers = #tpu.dot_dimension_numbers<[1], [0], [0], [1], [0, 0, 1, 1], [], []>, transpose_lhs_hint = false} : vector<4096x384xbf16>, vector<384x6xbf16>, vector<4096x6xf32> -> vector<4096x6xf32>
    %jit3A_518 = arith.constant -1.000000e+09 : f32
    %broadcast_in_dim3A_519 = vector.shape_cast %le3A_321 : vector<4096x1xi1> to vector<4096x1xi1>
    %broadcast_in_dim3A_520 = vector.broadcast %broadcast_in_dim3A_519 : vector<4096x1xi1> to vector<4096x6xi1>
    %broadcast_in_dim3A_521 = vector.broadcast %jit3A_518 : f32 to vector<4096x6xf32>
    %select_n3A_522 = arith.select %broadcast_in_dim3A_520, %dot_general3A_517, %broadcast_in_dim3A_521 : vector<4096x6xi1>, vector<4096x6xf32>
    %reshape3A_523 = vector.shape_cast %select_n3A_522 : vector<4096x6xf32> to vector<256x16x6xf32>
    %reduce_max3A = arith.constant dense<0xFF800000> : vector<256x6xf32>
    %reduce_max3A_524 = vector.multi_reduction <maximumf>, %reshape3A_523, %reduce_max3A [1] : vector<256x16x6xf32> to vector<256x6xf32>
    %broadcast_in_dim3A_525 = vector.shape_cast %reduce_max3A_524 : vector<256x6xf32> to vector<256x1x6xf32>
    %sub3A_526 = vector.broadcast %broadcast_in_dim3A_525 : vector<256x1x6xf32> to vector<256x16x6xf32>
    %sub3A_527 = arith.subf %reshape3A_523, %sub3A_526 : vector<256x16x6xf32>
    %exp3A = math.exp %sub3A_527 : vector<256x16x6xf32>
    %reduce_sum3A_528 = arith.constant dense<0.000000e+00> : vector<256x6xf32>
    %reduce_sum3A_529 = vector.multi_reduction <add>, %exp3A, %reduce_sum3A_528 [1] : vector<256x16x6xf32> to vector<256x6xf32>
    %broadcast_in_dim3A_530 = vector.shape_cast %reduce_sum3A_529 : vector<256x6xf32> to vector<256x1x6xf32>
    %div3A_531 = vector.broadcast %broadcast_in_dim3A_530 : vector<256x1x6xf32> to vector<256x16x6xf32>
    %div3A_532 = arith.divf %exp3A, %div3A_531 : vector<256x16x6xf32>
    %reshape3A_533 = vector.shape_cast %div3A_532 : vector<256x16x6xf32> to vector<4096x6xf32>
    %convert_element_type3A_534 = arith.truncf %reshape3A_533 : vector<4096x6xf32> to vector<4096x6xbf16>
    %convert_element_type3A_535 = arith.truncf %convert_element_type3A_60 : vector<6x384xf32> to vector<6x384xbf16>
    %dot_general3A_536 = arith.constant dense<0.000000e+00> : vector<4096x384xf32>
    %dot_general3A_537 = tpu.matmul %convert_element_type3A_534, %convert_element_type3A_535, %dot_general3A_536 {dimension_numbers = #tpu.dot_dimension_numbers<[1], [0], [0], [1], [0, 0, 1, 1], [], []>, transpose_lhs_hint = false} : vector<4096x6xbf16>, vector<6x384xbf16>, vector<4096x384xf32> -> vector<4096x384xf32>
    %mul3A_538 = arith.mulf %dot_general3A_537, %slice3A_487 : vector<4096x384xf32>
    %reshape3A_539 = vector.shape_cast %mul3A_538 : vector<4096x384xf32> to vector<256x16x384xf32>
    %reduce_sum3A_540 = arith.constant dense<0.000000e+00> : vector<256x384xf32>
    %reduce_sum3A_541 = vector.multi_reduction <add>, %reshape3A_539, %reduce_sum3A_540 [1] : vector<256x16x384xf32> to vector<256x384xf32>
    %get3A_542 = arith.constant 0 : index
    %get3A_543 = arith.constant 0 : index
    %get3A_544 = vector.load %arg12[%get3A_542, %get3A_543] : memref<384x384xf32, #tpu.memory_space<vmem>>, vector<384x384xf32>
    %convert_element_type3A_545 = arith.truncf %reduce_sum3A_541 : vector<256x384xf32> to vector<256x384xbf16>
    %convert_element_type3A_546 = arith.truncf %get3A_544 : vector<384x384xf32> to vector<384x384xbf16>
    %dot_general3A_547 = arith.constant dense<0.000000e+00> : vector<256x384xf32>
    %dot_general3A_548 = tpu.matmul %convert_element_type3A_545, %convert_element_type3A_546, %dot_general3A_547 {dimension_numbers = #tpu.dot_dimension_numbers<[1], [0], [0], [1], [0, 0, 1, 1], [], []>, transpose_lhs_hint = false} : vector<256x384xbf16>, vector<384x384xbf16>, vector<256x384xf32> -> vector<256x384xf32>
    %swap3A = arith.constant 0 : index
    %swap3A_549 = arith.constant 0 : index
    %swap3A_550 = vector.load %arg13[%swap3A, %swap3A_549] : memref<256x384xf32, #tpu.memory_space<vmem>>, vector<256x384xf32>
    tpu.vector_store %arg13[%swap3A, %swap3A_549], %dot_general3A_548 {strides = array<i32>} : memref<256x384xf32, #tpu.memory_space<vmem>>, vector<256x384xf32>,
    return
  }
  func.func @transform_0(%arg0: i32) -> (i32, i32) {
    %c0_i32 = arith.constant 0 : i32
    %c0_i32_0 = arith.constant 0 : i32
    return %arg0, %c0_i32 : i32, i32
  }
  func.func @transform_1(%arg0: i32) -> (i32, i32) {
    %c0_i32 = arith.constant 0 : i32
    %c0_i32_0 = arith.constant 0 : i32
    return %arg0, %c0_i32 : i32, i32
  }
  func.func @transform_2(%arg0: i32) -> (i32, i32) {
    %c0_i32 = arith.constant 0 : i32
    %c0_i32_0 = arith.constant 0 : i32
    return %arg0, %c0_i32 : i32, i32
  }
  func.func @transform_3(%arg0: i32) -> (i32, i32) {
    %c0_i32 = arith.constant 0 : i32
    %c0_i32_0 = arith.constant 0 : i32
    %c0_i32_1 = arith.constant 0 : i32
    return %c0_i32, %c0_i32_0 : i32, i32
  }
  func.func @transform_4(%arg0: i32) -> (i32, i32) {
    %c0_i32 = arith.constant 0 : i32
    %c0_i32_0 = arith.constant 0 : i32
    %c0_i32_1 = arith.constant 0 : i32
    return %c0_i32, %c0_i32_0 : i32, i32
  }
  func.func @transform_5(%arg0: i32) -> (i32, i32) {
    %c0_i32 = arith.constant 0 : i32
    %c0_i32_0 = arith.constant 0 : i32
    %c0_i32_1 = arith.constant 0 : i32
    return %c0_i32, %c0_i32_0 : i32, i32
  }
  func.func @transform_6(%arg0: i32) -> (i32, i32) {
    %c0_i32 = arith.constant 0 : i32
    %c0_i32_0 = arith.constant 0 : i32
    %c0_i32_1 = arith.constant 0 : i32
    return %c0_i32, %c0_i32_0 : i32, i32
  }
  func.func @transform_7(%arg0: i32) -> (i32, i32) {
    %c0_i32 = arith.constant 0 : i32
    %c0_i32_0 = arith.constant 0 : i32
    %c0_i32_1 = arith.constant 0 : i32
    return %c0_i32, %c0_i32_0 : i32, i32
  }
  func.func @transform_8(%arg0: i32) -> (i32, i32) {
    %c0_i32 = arith.constant 0 : i32
    %c0_i32_0 = arith.constant 0 : i32
    %c0_i32_1 = arith.constant 0 : i32
    return %c0_i32, %c0_i32_0 : i32, i32
  }
  func.func @transform_9(%arg0: i32) -> (i32, i32) {
    %c0_i32 = arith.constant 0 : i32
    %c0_i32_0 = arith.constant 0 : i32
    %c0_i32_1 = arith.constant 0 : i32
    return %c0_i32, %c0_i32_0 : i32, i32
  }
  func.func @transform_10(%arg0: i32) -> (i32, i32) {
    %c0_i32 = arith.constant 0 : i32
    %c0_i32_0 = arith.constant 0 : i32
    %c0_i32_1 = arith.constant 0 : i32
    return %c0_i32, %c0_i32_0 : i32, i32
  }
  func.func @transform_11(%arg0: i32) -> (i32, i32) {
    %c0_i32 = arith.constant 0 : i32
    %c0_i32_0 = arith.constant 0 : i32
    %c0_i32_1 = arith.constant 0 : i32
    return %c0_i32, %c0_i32_0 : i32, i32
  }
  func.func @transform_12(%arg0: i32) -> (i32, i32) {
    %c0_i32 = arith.constant 0 : i32
    %c0_i32_0 = arith.constant 0 : i32
    return %arg0, %c0_i32 : i32, i32
  }
}

</mosaic_0001>

<sc_bundles>
// kernel: kernel.5.cloned.1.call-start
scs
__scs_entry_jumppad:
0x0: {  	(pc) =	sbr.rel $0x88, $3  }
0x1: {  	(tag) =	ssettag $0x0;
	lr =	simm.s32 $0x1  }
0x2: {  	[smem:$0x3F97] =	sst lr;
	_ =	strace $0xD0000000  }
0x3: {  	_ = 	snop  }
0x4: {  	_ = 	snop  }
0x5: {  	_ = 	snop  }
0x6: {  	_ = 	snop  }
0x7: {  	_ = 	snop  }
__scs_overlays_trampoline_lowered:
0x8: {  	[smem:$0x3FA6] =	sst s0  }
0x9: {  	[smem:$0x3FA7] =	sst s1  }
0xa: {  	[smem:$0x3FA8] =	sst s2  }
0xb: {  	[smem:$0x3FA9] =	sst s3  }
0xc: {  	[smem:$0x3FAA] =	sst s4  }
0xd: {  	[smem:$0x3FAB] =	sst s5  }
0xe: {  	[smem:$0x3FAC] =	sst s6  }
0xf: {  	[smem:$0x3FAD] =	sst s7  }
0x10: {  	[smem:$0x3FAE] =	sst s8  }
0x11: {  	[smem:$0x3FAF] =	sst s9;
	s0 =	simm.s32 @!p0 $0x0  }
0x12: {  	s1 =	sld [smem:$0x3F95];
	s0 =	simm.s32 @p0 $0x1  }
0x13: {  	[smem:$0x3FB0] =	sst s0;
	s0 =	simm.s32 @!p1 $0x0  }
0x14: {  	s2 =	sld [smem:$0x3F94];
	s0 =	simm.s32 @p1 $0x1  }
0x15: {  	[smem:$0x3FB1] =	sst s0;
	s0 =	simm.s32 @!p2 $0x0  }
0x16: {  	s3 =	sld [smem:$0x3FDB];
	s0 =	simm.s32 @p2 $0x1  }
0x17: {  	s4 =	simm.s32 $0x1BF5;
	[smem:$0x3FB3] =	sst s0  }
0x18: {  	s0 =	sld [smem:$0x3F96];
	_ =	swait.ge [sflag:s4], $0x0  }
0x19: {  	s7 =	sld [smem:$0x3F97]  }
0x1a: {  	s8 =	sadd.s32 $0xFFFFE003, lr  }
0x1b: {  	s9 =	sadd.s32 $0xFFFFFEF7, lr;
	s5 =	simm.s32 $0xFFFFFFFF;
	p2 =	slt.u32 s8, $0xFFFFF086  }
0x1c: {  	p1 =	slt.u32 s9, $0xF7A;
	s5 =	simm.s32 @!p2 $0x0  }
0x1d: {  	s5 =	simm.s32 @p1 $0x1;
	p0 =	seq.s32 s7, s2  }
0x1e: {  	s7 =	smul.u32 @!p0 $0xF7A, s2;
	p2 =	seq.s32 @!p0 s5, $0x0  }
0x1f: {  	s9 =	smul.u32 $0xF7A, s1;
	s8 =	simm.s32 @!p0 $0x1BF5;
	p2 =	por !p2, p0  }
0x20: {  	[sflag:s8] =	ssyncset.s32 @!p0 $0xFFFFF086;
	s6 =	sadd.s32 @!p0 s3, s7;
	s7 =	simm.s32 @!p0 $0x108  }
0x21: {  	s3 =	sadd.s32 s3, s9;
	s6 =	sadd.s32 @!p0 $0x88, s6;
	s7 =	simm.s32 @p2 $0x1082  }
0x22: {  	[simem:s7], [sflag:s8] =	dma.local @!p0 [hbm:s6], $0xF7A  }
0x23: {  	s9 =	sor.u32 $0xD0000000, s2;
	s6 =	simm.s32 $0x108;
	_ =	swait.ge @!p0 [sflag:s8], $0x0  }
0x24: {  	s3 =	sadd.s32 $0x88, s3;
	s6 =	simm.s32 @!p1 $0x1082;
	[sflag:s4] =	ssyncset.s32 $0xFFFFF086  }
0x25: {  	[simem:s6], [sflag:s4] =	dma.local [hbm:s3], $0xF7A  }
0x26: {  	[smem:$0x3F97] =	sst s1;
	(tag) =	ssettag s2;
	_ =	strace s9  }
0x27: {  	s1 =	sld [smem:$0x3FA7]  }
0x28: {  	s2 =	sld [smem:$0x3FA8]  }
0x29: {  	s4 =	sld [smem:$0x3FAA]  }
0x2a: {  	p0 =	seq.s32 s5, $0x0;
	s5 =	sld [smem:$0x3FAB]  }
0x2b: {  	s6 =	sld [smem:$0x3FAC]  }
0x2c: {  	s7 =	sld [smem:$0x3FAD]  }
0x2d: {  	s3 =	simm.s32 $0x108;
	s8 =	sld [smem:$0x3FAE]  }
0x2e: {  	s3 =	simm.s32 @!p0 $0x1082;
	s9 =	sld [smem:$0x3FAF]  }
0x2f: {  	lr =	sadd.s32 s0, s3;
	s0 =	sld [smem:$0x3FA6]  }
0x30: {  	s3 =	sld [smem:$0x3FA9]  }
0x31: {  	[smem:$0x3FB2] =	sst s10  }
0x32: {  	s10 =	sld [smem:$0x3FB0];
	_ =	sdelay $0x3  }
0x33: {  	p0 =	seq.s32 s10, $0x1;
	s10 =	sld [smem:$0x3FB2];
	_ =	sdelay $0x3  }
0x34: {  	[smem:$0x3FB2] =	sst s10  }
0x35: {  	s10 =	sld [smem:$0x3FB1];
	_ =	sdelay $0x3  }
0x36: {  	p1 =	seq.s32 s10, $0x1;
	s10 =	sld [smem:$0x3FB2];
	_ =	sdelay $0x3  }
0x37: {  	[smem:$0x3FB2] =	sst s10  }
0x38: {  	s10 =	sld [smem:$0x3FB3]  }
0x39: {  	_ = 	snop;
	(pc) =	sbr.ind lr, $3  }
0x3a: {  	_ = 	snop  }
0x3b: {  	_ = 	snop  }
0x3c: {  	p2 =	seq.s32 s10, $0x1;
	s10 =	sld [smem:$0x3FB2]  }
0x3d: {  	_ =	shalt  }
0x3e: {  	_ =	shalt  }
0x3f: {  	_ =	shalt  }
0x40: {  	_ =	shalt  }
0x41: {  	_ =	shalt  }
0x42: {  	_ =	shalt  }
0x43: {  	_ =	shalt  }
0x44: {  	_ =	shalt  }
0x45: {  	_ =	shalt  }
0x46: {  	_ =	shalt  }
0x47: {  	_ =	shalt  }
0x48: {  	_ =	shalt  }
0x49: {  	_ =	shalt  }
0x4a: {  	_ =	shalt  }
0x4b: {  	_ =	shalt  }
0x4c: {  	_ =	shalt  }
0x4d: {  	_ =	shalt  }
0x4e: {  	_ =	shalt  }
0x4f: {  	_ =	shalt  }
0x50: {  	_ =	shalt  }
0x51: {  	_ =	shalt  }
0x52: {  	_ =	shalt  }
0x53: {  	_ =	shalt  }
0x54: {  	_ =	shalt  }
0x55: {  	_ =	shalt  }
0x56: {  	_ =	shalt  }
0x57: {  	_ =	shalt  }
0x58: {  	_ =	shalt  }
0x59: {  	_ =	shalt  }
0x5a: {  	_ =	shalt  }
0x5b: {  	_ =	shalt  }
0x5c: {  	_ =	shalt  }
0x5d: {  	_ =	shalt  }
0x5e: {  	_ =	shalt  }
0x5f: {  	_ =	shalt  }
0x60: {  	_ =	shalt  }
0x61: {  	_ =	shalt  }
0x62: {  	_ =	shalt  }
0x63: {  	_ =	shalt  }
0x64: {  	_ =	shalt  }
0x65: {  	_ =	shalt  }
0x66: {  	_ =	shalt  }
0x67: {  	_ =	shalt  }
0x68: {  	_ =	shalt  }
0x69: {  	_ =	shalt  }
0x6a: {  	_ =	shalt  }
0x6b: {  	_ =	shalt  }
0x6c: {  	_ =	shalt  }
0x6d: {  	_ =	shalt  }
0x6e: {  	_ =	shalt  }
0x6f: {  	_ =	shalt  }
0x70: {  	_ =	shalt  }
0x71: {  	_ =	shalt  }
0x72: {  	_ =	shalt  }
0x73: {  	_ =	shalt  }
0x74: {  	_ =	shalt  }
0x75: {  	_ =	shalt  }
0x76: {  	_ =	shalt  }
0x77: {  	_ =	shalt  }
0x78: {  	_ =	shalt  }
0x79: {  	_ =	shalt  }
0x7a: {  	_ =	shalt  }
0x7b: {  	_ =	shalt  }
0x7c: {  	_ =	shalt  }
0x7d: {  	_ =	shalt  }
0x7e: {  	_ =	shalt  }
0x7f: {  	_ =	shalt  }
0x80: {  	_ =	shalt  }
0x81: {  	_ =	shalt  }
0x82: {  	_ =	shalt  }
0x83: {  	_ =	shalt  }
0x84: {  	_ =	shalt  }
0x85: {  	_ =	shalt  }
0x86: {  	_ =	shalt  }
0x87: {  	_ =	shalt  }
.Lfunc_end0:
.L_simem_size_0:
called_computation_lowered:
.L_overlay_start_0:
0x88: {  	s2 =	sld [smem:$0x3FD9]  }
0x89: {  	s3 =	sld [smem:$0x3FFE];
	_ =	sdelay $0x1  }
0x8a: {  	s1 =	srdreg.scid  }
0x8b: {  	s0 =	sand.u32 $0x1, s1  }
0x8c: {  	s17 =	sshll.u32 s0, $0xA;
	s2 =	sadd.s32 s3, s2  }
0x8d: {  	s2 =	sadd.s32 s2, s17  }
0x8e: {  	[smem:$0x3FBE] =	sst s2  }
0x8f: {  	_ = 	snop  }
0x90: {  	s2 =	sld [smem:$0x3FC8]  }
0x91: {  	s18 =	sld [smem:$0x3FD0];
	(tm) =	ssettm $0x1  }
0x92: {  	s4 =	sld [smem:$0x3FFB];
	_ =	sdelay $0x3  }
0x93: {  	_ =	strace s4  }
0x94: {  	s4 =	sld [smem:$0x3FFC];
	_ =	sdelay $0x3  }
0x95: {  	_ =	strace s4  }
0x96: {  	s4 =	sld [smem:$0x3FFD];
	_ =	sdelay $0x3  }
0x97: {  	_ =	strace s4  }
0x98: {  	_ =	strace $0x8FFFFFFF  }
0x99: {  	s19 =	sld [smem:$0x3FDB];
	_ =	sdelay $0x1  }
0x9a: {  	s5 =	simm.s32 $_scs_section_size  }
0x9b: {  	s6 =	simm.s32 $_size__tile_overlayer_lowered;
	s7 =	simm.s32 $_tile_overlayer_lowered  }
0x9c: {  	s22 =	simm.s32 $0x1BFF;
	s21 =	sshll.u32 s7, $0x1;
	s4 =	sadd.s32 s5, s19  }
0x9d: {  	s8 =	simm.s32 $0x0;
	s20 =	sshll.u32 s6, $0x1;
	s6 =	sadd.s32 s21, s4  }
0x9e: {  	[timem:s8], [sflag:s22] =	dma.local [hbm:s6], s20  }
0x9f: {  	_ =	swait.ge [sflag:s22], s20  }
0xa0: {  	s5 =	ssub.s32 $0x0, s20;
	[sflag:s22] =	ssyncset.done $0x0  }
0xa1: {  	[sflag:s22] =	ssyncadd.s32 s5;
	_ =	sdelay $0x1  }
0xa2: {  	s23 =	simm.s32 $0x1B8B  }
0xa3: {  	_ =	swait.ge [sflag:s23], $0x1  }
0xa4: {  	[sflag:s23] =	ssyncset.done $0x0  }
0xa5: {  	s25 =	simm.s32 $0x1B8E;
	s24 =	sld [smem:$0x3FFE];
	[sflag:s23] =	ssyncadd.s32 $0xFFFFFFFF  }
0xa6: {  	s26 =	simm.s32 $execute0_lowered;
	[smem:$0x3FD2] =	sst s25  }
0xa7: {  	s6 =	sshll.u32 s26, $0x1;
	_ =	strace $0x80000046;
	[dreg:$0x1] =	wrdreg $0xFFFFFFFF  }
0xa8: {  	s28 =	simm.s32 $_size_execute0_lowered;
	s4 =	sadd.s32 s4, s6;
	[dreg:$0x0] =	wrdreg $0x0  }
0xa9: {  	s6 =	sshll.u32 s28, $0x1;
	[dreg:$0x2] =	wrdreg s4  }
0xaa: {  	[dreg:$0x3] =	wrdreg s6  }
0xab: {  	[dreg:$0x4] =	wrdreg $0xC0  }
0xac: {  	_ =	task [dreg:s8], $0x5FFFF  }
0xad: {  	[dreg:$0x1] =	wrdreg $0xFFFFFFFF  }
0xae: {  	[dreg:$0x0] =	wrdreg $0x60  }
0xaf: {  	[dreg:$0x2] =	wrdreg s2  }
0xb0: {  	[dreg:$0x3] =	wrdreg s18  }
0xb1: {  	[dreg:$0x4] =	wrdreg s24  }
0xb2: {  	[dreg:$0x5] =	wrdreg $0x9  }
0xb3: {  	_ =	task.clear_ibuf [dreg:s8], $0x6FFFF;
	_ =	strace $0x90000046  }
0xb4: {  	s29 =	simm.s32 $0x9;
	_ =	strace $0x80000048  }
0xb5: {  	_ =	swait.ge [sflag:s29], $0x1  }
0xb6: {  	[sflag:s29] =	ssyncadd.s32 $0xFFFFFFFF  }
0xb7: {  	_ =	strace $0x90000048  }
0xb8: {  	_ =	sfence  }
0xb9: {  	s30 =	sld [smem:$0x0];
	_ =	sdelay $0x2  }
0xba: {  	s31 =	sshll.u32 s1, $0xD;
	s1 =	sshrl.u32 s1, $0x2  }
0xbb: {  	s3 =	sand.u32 $0x4000, s31;
	s1 =	sadd.s32 s1, s30  }
0xbc: {  	s0 =	sor.u32 s3, s0;
	s1 =	sshll.u32 s1, $0x11  }
0xbd: {  	s0 =	sor.u32 s1, s0  }
0xbe: {  	s0 =	sadd.s32 $0x8F2B, s0  }
0xbf: {  	[sflag:s0] =	ssyncadd.remote.s32 $0x1  }
0xc0: {  	_ =	sfence.sel $0xFFFF  }
0xc1: {  	[dreg:$0x0] =	wrdreg $0xFFFFFFFF;
	(pc) =	sbr.abs _section_cstart, $3  }
0xc2: {  	[dreg:$0x1] =	wrdreg $0xFFFFFFFF  }
0xc3: {  	_ =	task.clear_ibuf [dreg:s8], $0x2FFFF;
	_ =	strace $0x9FFFFFFF  }
0xc4: {  	(tm) =	ssettm $0x7FFFFFFF  }
0xc5: {  	_ =	shalt  }
tec
execute0_lowered:
.L_overlay_start_1:
0x0: {  	(tag) =	ssettag $0x1  }
0x1: {  	s1 =	rddreg [dreg:$0x0]  }
0x2: {  	s5 =	rddreg [dreg:$0x1]  }
0x3: {  	s4 =	rddreg [dreg:$0x2]  }
0x4: {  	s2 =	srdreg.scid;
	s0 =	rddreg [dreg:$0x3];
	s3 =	simm.s32 $0x0  }
0x5: {  	s10 =	simm.s32 $0x4200;
	s11 =	simm.s32 $0x100;
	s12 =	simm.s32 $0x8200  }
0x6: {  	s13 =	simm.s32 $0x180;
	s14 =	simm.s32 $0xC200;
	s15 =	simm.s32 $0x1  }
0x7: {  	s16 =	simm.s32 $0x0;
	s6 =	sand.u32 $0x1, s2;
	s2 =	stileid.u32  }
0x8: {  	[smem:$0x7FF] =	sst s3;
	s7 =	ssub.s32 $0x2, s6;
	s8 =	sshll.u32 s2, $0x11  }
0x9: {  	_ =	strace $0x80000047;
	s29 =	sshll.u32 s6, $0x10;
	s30 =	sshll.u32 s2, $0xA  }
0xa: {  	s6 =	sshll.u32 s6, $0x9;
	s9 =	sshrl.u32 s7, $0x1;
	s8 =	sadd.s32 s8, s4  }
0xb: {  	s31 =	sadd.s32 s30, s5;
	s28 =	ssub.s32 s7, s9;
	s7 =	sadd.s32 s29, s8  }
0xc: {  	s6 =	sadd.s32 s6, s31;
	s8 =	simm.s32 $0x80;
	s9 =	simm.s32 $0x200  }
0xd: {  	s4 =	smax.u32 s28, $0x1;
	s5 =	sadd.s32 $0x1800, s7;
	s7 =	simm.s32 $0x2  }
.LBB2_1:
0xe: {  	s17 =	sadd.s32 $0x0, s6  }
0xf: {  	[tilespmem:s3], [sflag:$0x2] =	stream.linear.gather [hbm4b:s17+s3], $0x200, $0x38;
	[tilespmem:$0x10200] =	vst v63  }
0x10: {  	_ =	swait.ge [sflag:s7], $0x200  }
0x11: {  	[sflag:s7] =	ssyncset.done $0x0  }
0x12: {  	[sflag:s7] =	ssyncadd.s32 $0xFFFFFE00  }
0x13: {  	[tilespmem:s9], [sflag:$0x1] =	stream.indirect.gather [hbm4b:s1+s8], $0x80, s3, s8, $0xb8;
	[tilespmem:$0x10200] =	vst v63  }
0x14: {  	_ = 	snop  }
0x15: {  	[tilespmem:s10], [sflag:$0x1] =	stream.indirect.gather [hbm4b:s1+s8], $0x80, s8, s8, $0xb8;
	[tilespmem:$0x10200] =	vst v63  }
0x16: {  	_ = 	snop  }
0x17: {  	[tilespmem:s12], [sflag:$0x1] =	stream.indirect.gather [hbm4b:s1+s8], $0x80, s11, s8, $0xb8;
	[tilespmem:$0x10200] =	vst v63  }
0x18: {  	_ = 	snop  }
0x19: {  	[tilespmem:s14], [sflag:$0x1] =	stream.indirect.gather [hbm4b:s1+s8], $0x80, s13, s8, $0xb8;
	[tilespmem:$0x10200] =	vst v63  }
0x1a: {  	_ =	swait.ge [sflag:s15], $0x4000  }
0x1b: {  	[sflag:s15] =	ssyncset.done $0x0  }
0x1c: {  	[sflag:s15] =	ssyncadd.s32 $0xFFFFC000  }
0x1d: {  	_ =	swait.ge [sflag:s15], $0x4000  }
0x1e: {  	[sflag:s15] =	ssyncset.done $0x0  }
0x1f: {  	[sflag:s15] =	ssyncadd.s32 $0xFFFFC000  }
0x20: {  	_ =	swait.ge [sflag:s15], $0x4000  }
0x21: {  	[sflag:s15] =	ssyncset.done $0x0  }
0x22: {  	[sflag:s15] =	ssyncadd.s32 $0xFFFFC000  }
0x23: {  	_ =	swait.ge [sflag:s15], $0x4000  }
0x24: {  	[sflag:s15] =	ssyncset.done $0x0  }
0x25: {  	[sflag:s15] =	ssyncadd.s32 $0xFFFFC000  }
0x26: {  	[hbm4b:s5+s3] =	stream.linear.scatter [tilespmem:s9], [sflag:$0x2], $0x10000, $0x38;
	[tilespmem:$0x10200] =	vst v63  }
0x27: {  	s18 =	simm.s32 $0x40;
	_ =	swait.ge [sflag:s7], $0x10000  }
0x28: {  	s19 =	simm.s32 $0x80;
	s17 =	sadd.s32 $0x2000, s5;
	[sflag:s7] =	ssyncset.done $0x0  }
.LBB2_2:
0x29: {  	s20 =	sadd.s32 s18, s6  }
0x2a: {  	[sflag:s7] =	ssyncadd.s32 $0xFFFF0000;
	s18 =	smov.u32 s19;
	s21 =	sadd.s32 $0x40, s19  }
0x2b: {  	[tilespmem:s3], [sflag:$0x2] =	stream.linear.gather [hbm4b:s20+s3], $0x200, $0x38;
	[tilespmem:$0x10200] =	vst v63  }
0x2c: {  	p0 =	sne.s32 s19, $0x1C0;
	_ =	swait.ge [sflag:s7], $0x200  }
0x2d: {  	[sflag:s7] =	ssyncset.done $0x0  }
0x2e: {  	[sflag:s7] =	ssyncadd.s32 $0xFFFFFE00  }
0x2f: {  	[tilespmem:s9], [sflag:$0x1] =	stream.indirect.gather [hbm4b:s1+s8], $0x80, s3, s8, $0xb8;
	[tilespmem:$0x10200] =	vst v63  }
0x30: {  	_ = 	snop  }
0x31: {  	[tilespmem:s10], [sflag:$0x1] =	stream.indirect.gather [hbm4b:s1+s8], $0x80, s8, s8, $0xb8;
	[tilespmem:$0x10200] =	vst v63  }
0x32: {  	_ = 	snop  }
0x33: {  	[tilespmem:s12], [sflag:$0x1] =	stream.indirect.gather [hbm4b:s1+s8], $0x80, s11, s8, $0xb8;
	[tilespmem:$0x10200] =	vst v63  }
0x34: {  	_ = 	snop  }
0x35: {  	[tilespmem:s14], [sflag:$0x1] =	stream.indirect.gather [hbm4b:s1+s8], $0x80, s13, s8, $0xb8;
	[tilespmem:$0x10200] =	vst v63  }
0x36: {  	_ =	swait.ge [sflag:s15], $0x4000  }
0x37: {  	[sflag:s15] =	ssyncset.done $0x0  }
0x38: {  	[sflag:s15] =	ssyncadd.s32 $0xFFFFC000  }
0x39: {  	_ =	swait.ge [sflag:s15], $0x4000  }
0x3a: {  	[sflag:s15] =	ssyncset.done $0x0  }
0x3b: {  	[sflag:s15] =	ssyncadd.s32 $0xFFFFC000  }
0x3c: {  	_ =	swait.ge [sflag:s15], $0x4000  }
0x3d: {  	[sflag:s15] =	ssyncset.done $0x0  }
0x3e: {  	[sflag:s15] =	ssyncadd.s32 $0xFFFFC000  }
0x3f: {  	_ =	swait.ge [sflag:s15], $0x4000  }
.Ltmp0:
0x40: {  	[sflag:s15] =	ssyncset.done $0x0;
	(pc) =	sbr.rel @p0 .LBB2_2-.Ltmp0, $4  }
0x41: {  	[sflag:s15] =	ssyncadd.s32 $0xFFFFC000  }
0x42: {  	[hbm4b:s17+s3] =	stream.linear.scatter [tilespmem:s9], [sflag:$0x2], $0x10000, $0x38;
	[tilespmem:$0x10200] =	vst v63  }
0x43: {  	_ =	swait.ge [sflag:s7], $0x10000  }
0x44: {  	s19 =	smov.u32 s21;
	s17 =	sadd.s32 $0x2000, s17;
	[sflag:s7] =	ssyncset.done $0x0  }
0x45: {  	s18 =	sadd.s32 s18, s6;
	[sflag:s7] =	ssyncadd.s32 $0xFFFF0000  }
0x46: {  	[tilespmem:s3], [sflag:$0x2] =	stream.linear.gather [hbm4b:s18+s3], $0x200, $0x38;
	[tilespmem:$0x10200] =	vst v63  }
0x47: {  	_ =	swait.ge [sflag:s7], $0x200  }
0x48: {  	[sflag:s7] =	ssyncset.done $0x0  }
0x49: {  	[sflag:s7] =	ssyncadd.s32 $0xFFFFFE00  }
0x4a: {  	[tilespmem:s9], [sflag:$0x1] =	stream.indirect.gather [hbm4b:s1+s8], $0x80, s3, s8, $0xb8;
	[tilespmem:$0x10200] =	vst v63  }
0x4b: {  	_ = 	snop  }
0x4c: {  	[tilespmem:s10], [sflag:$0x1] =	stream.indirect.gather [hbm4b:s1+s8], $0x80, s8, s8, $0xb8;
	[tilespmem:$0x10200] =	vst v63  }
0x4d: {  	_ = 	snop  }
0x4e: {  	[tilespmem:s12], [sflag:$0x1] =	stream.indirect.gather [hbm4b:s1+s8], $0x80, s11, s8, $0xb8;
	[tilespmem:$0x10200] =	vst v63  }
0x4f: {  	_ = 	snop  }
0x50: {  	[tilespmem:s14], [sflag:$0x1] =	stream.indirect.gather [hbm4b:s1+s8], $0x80, s13, s8, $0xb8;
	[tilespmem:$0x10200] =	vst v63  }
0x51: {  	_ =	swait.ge [sflag:s15], $0x4000  }
0x52: {  	[sflag:s15] =	ssyncset.done $0x0  }
0x53: {  	[sflag:s15] =	ssyncadd.s32 $0xFFFFC000  }
0x54: {  	_ =	swait.ge [sflag:s15], $0x4000  }
0x55: {  	[sflag:s15] =	ssyncset.done $0x0  }
0x56: {  	[sflag:s15] =	ssyncadd.s32 $0xFFFFC000  }
0x57: {  	_ =	swait.ge [sflag:s15], $0x4000  }
0x58: {  	[sflag:s15] =	ssyncset.done $0x0  }
0x59: {  	[sflag:s15] =	ssyncadd.s32 $0xFFFFC000  }
0x5a: {  	s16 =	sadd.s32 $0x1, s16;
	_ =	swait.ge [sflag:s15], $0x4000  }
0x5b: {  	p0 =	sne.s32 s16, s4;
	[sflag:s15] =	ssyncset.done $0x0  }
.Ltmp1:
0x5c: {  	[sflag:s15] =	ssyncadd.s32 $0xFFFFC000;
	(pc) =	sbr.rel @p0 .LBB2_1-.Ltmp1, $4  }
0x5d: {  	[hbm4b:s17+s3] =	stream.linear.scatter [tilespmem:s9], [sflag:$0x2], $0x10000, $0x38;
	[tilespmem:$0x10200] =	vst v63  }
0x5e: {  	_ =	swait.ge [sflag:s7], $0x10000  }
0x5f: {  	[sflag:s7] =	ssyncset.done $0x0  }
0x60: {  	[sflag:s7] =	ssyncadd.s32 $0xFFFF0000  }
0x61: {  	_ =	sfence.sel $0x180000  }
0x62: {  	[bflag:$0x0] =	sbarrier.arrive $0xFFFF  }
0x63: {  	p0 =	sne.s32 s2, $0x0;
	_ =	strace $0x90000047  }
0x64: {  	s0 =	sadd.s32 @!p0 $0x100000, s0;
	[bflag:$0x2] =	sbarrier.arrive $0xFFFF  }
0x65: {  	[sflag:s0] =	ssyncadd.tile.s32 @!p0 $0x1;
	_ =	shalt  }
.Lfunc_end2:
_tile_overlayer_lowered:
.L_overlay_start_2:
0x66: {  	(tag) =	ssettag $0x2  }
0x67: {  	s0 =	rddreg [dreg:$0x0];
	s2 =	stileid.u32  }
0x68: {  	s1 =	rddreg [dreg:$0x1];
	p0 =	sne.s32 s2, $0x0  }
0x69: {  	s3 =	rddreg [dreg:$0x2];
	[bflag:$0x3] =	sbarrier.arrive $0xFFFF;
	s2 =	simm.s32 @!p0 $0x1C02  }
0x6a: {  	[timem:s3], [sflag:s2] =	dma.local @!p0 [hbm:s0], s1  }
0x6b: {  	s0 =	simm.s32 @!p0 $0x2  }
0x6c: {  	_ =	swait.ge @!p0 [sflag:s0], s1  }
0x6d: {  	s1 =	ssub.s32 @!p0 $0x0, s1;
	[sflag:s0] =	ssyncset.done @!p0 $0x0  }
0x6e: {  	[sflag:s0] =	ssyncadd.s32 @!p0 s1  }
0x6f: {  	[bflag:$0x3] =	sbarrier.arrive $0xFFFF  }
0x70: {  	_ =	shalt  }

</sc_bundles>
